<compile_context>
chip_gen: v7x
topology: tpu7x:2x2x1
jax: 0.10.2.dev20260603
libtpu: 0.0.44.dev20260713+nightly
codegen_flags: <defaults>
</compile_context>

<pallas_src>
import functools

import jax
import jax.numpy as jnp
from jax import lax
from jax.experimental import pallas as pl
from jax.experimental.pallas import tpu as pltpu
from jax.experimental.pallas import tpu_sc as plsc

_NC = 2
_NS = 16
_NW = _NC * _NS

_GB = 4


def _body(table_hbm, idx_hbm, out_hbm, idx_v, rows_v, gsem, osem0, osem1):
    seq = idx_hbm.shape[1]
    wid = lax.axis_index("s") * _NC + lax.axis_index("c")
    nrows = idx_hbm.shape[0] // _NW
    b0 = wid * nrows
    ng = nrows // _GB
    osems = (osem0, osem1)
    splits = [(0, 128), (128, seq - 128)] if seq > 128 else [(0, seq)]

    def fire_gathers(b, row0):
        return [
            pltpu.async_copy(
                table_hbm.at[idx_v.at[b, r, pl.ds(lo, ln)]],
                rows_v.at[b, r, pl.ds(lo, ln)],
                gsem,
            )
            for r in range(_GB)
            for (lo, ln) in splits
        ]

    def drain_gathers(b):
        for r in range(_GB):
            for (lo, ln) in splits:
                pltpu.make_async_copy(
                    table_hbm.at[idx_v.at[b, r, pl.ds(lo, ln)]],
                    rows_v.at[b, r, pl.ds(lo, ln)],
                    gsem,
                ).wait()

    def out_slice(row0):
        return out_hbm.at[pl.ds(row0, _GB), :, pl.ds(0, 64)]

    pltpu.sync_copy(idx_hbm.at[pl.ds(b0, _GB)], idx_v.at[0])
    fire_gathers(0, b0)
    pltpu.sync_copy(idx_hbm.at[pl.ds(b0 + _GB, _GB)], idx_v.at[1])

    @pl.loop(0, ng, step=2)
    def _pair(p):
        for b in range(2):
            g = p + b
            row0 = b0 + g * _GB

            @pl.when(g >= 1)
            def _():
                pltpu.make_async_copy(
                    rows_v.at[1 - b], out_slice(row0 - _GB), osems[1 - b]
                ).wait()

            @pl.when(g + 1 < ng)
            def _():
                fire_gathers(1 - b, row0 + _GB)

            drain_gathers(b)
            pltpu.async_copy(rows_v.at[b], out_slice(row0), osems[b])

            @pl.when(g + 2 < ng)
            def _():
                pltpu.sync_copy(
                    idx_hbm.at[pl.ds(row0 + 2 * _GB, _GB)], idx_v.at[b]
                )

    bl = (ng - 1) % 2
    pltpu.make_async_copy(
        rows_v.at[bl], out_hbm.at[pl.ds(b0, _GB), :, pl.ds(0, 64)], osems[bl]
    ).wait()


@jax.jit
def _gather(averages, idx2d):
    batch, seq = idx2d.shape
    d = averages.shape[1]
    mesh = plsc.VectorSubcoreMesh(core_axis_name="c", subcore_axis_name="s")
    return pl.kernel(
        _body,
        out_type=jax.ShapeDtypeStruct((batch, seq, 128), averages.dtype),
        mesh=mesh,
        scratch_types=[
            pltpu.VMEM((2, _GB, seq), jnp.int32),
            pltpu.VMEM((2, _GB, seq, d), jnp.float32),
            pltpu.SemaphoreType.DMA,
            pltpu.SemaphoreType.DMA,
            pltpu.SemaphoreType.DMA,
        ],
        compiler_params=pltpu.CompilerParams(use_tc_tiling_on_sc=False),
    )(averages, idx2d)


def kernel(indicies, averages):
    av_flat = jax.lax.optimization_barrier(averages.reshape(-1))
    idx_flat = jax.lax.optimization_barrier(
        indicies.astype(jnp.int32).reshape(-1)
    )
    av = av_flat.reshape(averages.shape)
    idx = idx_flat.reshape(indicies.shape)
    return _gather(av, idx)[..., :64]

# --- scband reference (transcript-rebuilt; emitter-appended) ---
"""Pipeline reference for scband-pretrained-avg-vectorizer-26628797235829 (READ-ONLY COPY).

The authoritative reference and input builder live on the scoring server;
editing this copy changes nothing except your own understanding.
"""

import jax, jax.numpy as jnp
import numpy as np

VOCAB = 1000000
DIMS = 64
BATCH = 16384
SEQ = 200


def setup_inputs(seed: int = 0) -> dict:
    key = jax.random.key(seed)
    k_idx, k_avg = jax.random.split(key)
    indicies = jax.random.randint(k_idx, (BATCH, SEQ), 0, VOCAB, dtype=jnp.int64 if jax.config.jax_enable_x64 else jnp.int32)
    # learned/pretrained average table (the module's `averages` buffer)
    averages = jax.random.normal(k_avg, (VOCAB, DIMS), dtype=jnp.float32)
    return {"indicies": indicies, "averages": averages}


def reference(indicies, averages):
    # PretrainedAvgVectorizer.forward: self.averages[indicies]
    # (batch, seq) int -> (batch, seq, dims) float
    return jnp.take(averages, indicies, axis=0)

if __name__ == "__main__":
    import jax
    _d = setup_inputs()
    print(jax.jit(kernel)(*tuple(_d.values())))

</pallas_src>

<mosaic_0001>
#map = affine_map<(d0, d1) -> (0, 0)>
#map1 = affine_map<(d0, d1) -> (0, 0, 0)>
module attributes {stable_mosaic.version = 14 : i64} {
  func.func @_body(%arg0: i32, %arg1: i32, %arg2: memref<1000000x64xf32, #tpu.memory_space<hbm>>, %arg3: memref<16384x200xi32, #tpu.memory_space<hbm>>, %arg4: memref<16384x200x128xf32, #tpu.memory_space<hbm>>, %arg5: memref<2x4x200xi32, #tpu.memory_space<vmem>>, %arg6: memref<2x4x200x64xf32, #tpu.memory_space<vmem>>, %arg7: memref<!tpu.dma_semaphore, #tpu.memory_space<semaphore_mem>>, %arg8: memref<!tpu.dma_semaphore, #tpu.memory_space<semaphore_mem>>, %arg9: memref<!tpu.dma_semaphore, #tpu.memory_space<semaphore_mem>>) attributes {dimension_semantics = [#tpu.dimension_semantics<core_parallel>, #tpu.dimension_semantics<subcore_parallel>], iteration_bounds = array<i64: 2, 16>, scalar_prefetch = 0 : i64, scratch_operands = 5 : i64, tpu.core_type = #tpu.core_type<sc_vector_subcore>, window_params = [{transform_indices = #map}, {transform_indices = #map}, {transform_indices = #map1}]} {
    %mul3A = arith.constant 2 : i32
    %mul3A_0 = arith.muli %arg1, %mul3A : i32
    %add3A = arith.addi %mul3A_0, %arg0 : i32
    %mul3A_1 = arith.constant 512 : i32
    %mul3A_2 = arith.muli %add3A, %mul3A_1 : i32
    %run_scoped3A = arith.constant 0 : i32
    "tpu.region"() ({
      %run_scoped3A_137 = tpu.sem_alloc : memref<!tpu.dma_semaphore, #tpu.memory_space<semaphore_mem>>
      %dma_start3A_138 = arith.constant 0 : i32
      %dma_start3A_139 = arith.constant 0 : i32
      %dma_start3A_140 = tpu.memref_slice %arg5[%run_scoped3A, %dma_start3A_138, %dma_start3A_139] : memref<2x4x200xi32, #tpu.memory_space<vmem>> -> memref<1x4x200xi32, #tpu.memory_space<vmem>>
      %dma_start3A_141 = tpu.memref_squeeze %dma_start3A_140 : memref<1x4x200xi32, #tpu.memory_space<vmem>> -> memref<4x200xi32, #tpu.memory_space<vmem>>
      %dma_start3A_142 = arith.constant 0 : i32
      %dma_start3A_143 = tpu.memref_slice %arg3[%mul3A_2, %dma_start3A_142] : memref<16384x200xi32, #tpu.memory_space<hbm>> -> memref<4x200xi32, #tpu.memory_space<hbm>>
      %dma_start3A_144 = arith.constant 0 : i32
      %dma_start3A_145 = arith.constant 0 : i32
      %dma_start3A_146 = tpu.memref_slice %arg5[%run_scoped3A, %dma_start3A_144, %dma_start3A_145] : memref<2x4x200xi32, #tpu.memory_space<vmem>> -> memref<1x4x200xi32, #tpu.memory_space<vmem>>
      %dma_start3A_147 = tpu.memref_squeeze %dma_start3A_146 : memref<1x4x200xi32, #tpu.memory_space<vmem>> -> memref<4x200xi32, #tpu.memory_space<vmem>>
      %dma_start3A_148 = arith.constant 0 : i32
      %dma_start3A_149 = tpu.memref_slice %arg3[%mul3A_2, %dma_start3A_148] : memref<16384x200xi32, #tpu.memory_space<hbm>> -> memref<4x200xi32, #tpu.memory_space<hbm>>
      tpu.enqueue_dma source(%dma_start3A_149 : memref<4x200xi32, #tpu.memory_space<hbm>>) target(%dma_start3A_147 : memref<4x200xi32, #tpu.memory_space<vmem>>) target_semaphore(%run_scoped3A_137 : memref<!tpu.dma_semaphore, #tpu.memory_space<semaphore_mem>>)
      %dma_wait3A_150 = arith.constant 0 : i32
      %dma_wait3A_151 = arith.constant 0 : i32
      %dma_wait3A_152 = tpu.memref_slice %arg5[%run_scoped3A, %dma_wait3A_150, %dma_wait3A_151] : memref<2x4x200xi32, #tpu.memory_space<vmem>> -> memref<1x4x200xi32, #tpu.memory_space<vmem>>
      %dma_wait3A_153 = tpu.memref_squeeze %dma_wait3A_152 : memref<1x4x200xi32, #tpu.memory_space<vmem>> -> memref<4x200xi32, #tpu.memory_space<vmem>>
      %dma_wait3A_154 = arith.constant 0 : i32
      %dma_wait3A_155 = tpu.memref_slice %arg3[%mul3A_2, %dma_wait3A_154] : memref<16384x200xi32, #tpu.memory_space<hbm>> -> memref<4x200xi32, #tpu.memory_space<hbm>>
      %dma_wait3A_156 = arith.constant 0 : i32
      %dma_wait3A_157 = arith.constant 0 : i32
      %dma_wait3A_158 = tpu.memref_slice %arg5[%run_scoped3A, %dma_wait3A_156, %dma_wait3A_157] : memref<2x4x200xi32, #tpu.memory_space<vmem>> -> memref<1x4x200xi32, #tpu.memory_space<vmem>>
      %dma_wait3A_159 = tpu.memref_squeeze %dma_wait3A_158 : memref<1x4x200xi32, #tpu.memory_space<vmem>> -> memref<4x200xi32, #tpu.memory_space<vmem>>
      %dma_wait3A_160 = arith.constant 0 : i32
      %dma_wait3A_161 = tpu.memref_slice %arg3[%mul3A_2, %dma_wait3A_160] : memref<16384x200xi32, #tpu.memory_space<hbm>> -> memref<4x200xi32, #tpu.memory_space<hbm>>
      tpu.wait_dma2 semaphore(%run_scoped3A_137 : memref<!tpu.dma_semaphore, #tpu.memory_space<semaphore_mem>>) src(%dma_wait3A_161 : memref<4x200xi32, #tpu.memory_space<hbm>>) dst(%dma_wait3A_159 : memref<4x200xi32, #tpu.memory_space<vmem>>)
      tpu.yield
    }) : () -> ()
    %dma_start3A = arith.constant 0 : i32
    %dma_start3A_3 = arith.constant 0 : i32
    %dma_start3A_4 = arith.constant 0 : i32
    %dma_start3A_5 = arith.constant 0 : i32
    %dma_start3A_6 = arith.constant 0 : i32
    %dma_start3A_7 = arith.constant 0 : i32
    %dma_start3A_8 = tpu.memref_slice %arg6[%dma_start3A_4, %dma_start3A_5, %dma_start3A_6, %dma_start3A_7] : memref<2x4x200x64xf32, #tpu.memory_space<vmem>> -> memref<1x1x128x64xf32, #tpu.memory_space<vmem>>
    %dma_start3A_9 = tpu.memref_squeeze %dma_start3A_8 : memref<1x1x128x64xf32, #tpu.memory_space<vmem>> -> memref<128x64xf32, #tpu.memory_space<vmem>>
    %dma_start3A_10 = arith.constant 0 : i32
    %dma_start3A_11 = tpu.memref_slice %arg5[%dma_start3A, %dma_start3A_3, %dma_start3A_10] : memref<2x4x200xi32, #tpu.memory_space<vmem>> -> memref<1x1x128xi32, #tpu.memory_space<vmem>>
    %dma_start3A_12 = tpu.memref_squeeze %dma_start3A_11 : memref<1x1x128xi32, #tpu.memory_space<vmem>> -> memref<128xi32, #tpu.memory_space<vmem>>
    %dma_start3A_13 = arith.constant 0 : i32
    %dma_start3A_14 = arith.constant 0 : i32
    %dma_start3A_15 = tpu.memref_slice %arg2[%dma_start3A_13, %dma_start3A_14] : memref<1000000x64xf32, #tpu.memory_space<hbm>> -> memref<1000000x64xf32, #tpu.memory_space<hbm>>
    tpu.enqueue_indirect_dma source(%dma_start3A_15 : memref<1000000x64xf32, #tpu.memory_space<hbm>>) target(%dma_start3A_9 : memref<128x64xf32, #tpu.memory_space<vmem>>) offsets(%dma_start3A_12 : memref<128xi32, #tpu.memory_space<vmem>>) semaphore(%arg7 : memref<!tpu.dma_semaphore, #tpu.memory_space<semaphore_mem>>)
    %dma_start3A_16 = arith.constant 0 : i32
    %dma_start3A_17 = arith.constant 0 : i32
    %dma_start3A_18 = arith.constant 0 : i32
    %dma_start3A_19 = arith.constant 0 : i32
    %dma_start3A_20 = arith.constant 128 : i32
    %dma_start3A_21 = arith.constant 0 : i32
    %dma_start3A_22 = tpu.memref_slice %arg6[%dma_start3A_18, %dma_start3A_19, %dma_start3A_20, %dma_start3A_21] : memref<2x4x200x64xf32, #tpu.memory_space<vmem>> -> memref<1x1x72x64xf32, #tpu.memory_space<vmem>>
    %dma_start3A_23 = tpu.memref_squeeze %dma_start3A_22 : memref<1x1x72x64xf32, #tpu.memory_space<vmem>> -> memref<72x64xf32, #tpu.memory_space<vmem>>
    %dma_start3A_24 = arith.constant 128 : i32
    %dma_start3A_25 = tpu.memref_slice %arg5[%dma_start3A_16, %dma_start3A_17, %dma_start3A_24] : memref<2x4x200xi32, #tpu.memory_space<vmem>> -> memref<1x1x72xi32, #tpu.memory_space<vmem>>
    %dma_start3A_26 = tpu.memref_squeeze %dma_start3A_25 : memref<1x1x72xi32, #tpu.memory_space<vmem>> -> memref<72xi32, #tpu.memory_space<vmem>>
    %dma_start3A_27 = arith.constant 0 : i32
    %dma_start3A_28 = arith.constant 0 : i32
    %dma_start3A_29 = tpu.memref_slice %arg2[%dma_start3A_27, %dma_start3A_28] : memref<1000000x64xf32, #tpu.memory_space<hbm>> -> memref<1000000x64xf32, #tpu.memory_space<hbm>>
    tpu.enqueue_indirect_dma source(%dma_start3A_29 : memref<1000000x64xf32, #tpu.memory_space<hbm>>) target(%dma_start3A_23 : memref<72x64xf32, #tpu.memory_space<vmem>>) offsets(%dma_start3A_26 : memref<72xi32, #tpu.memory_space<vmem>>) semaphore(%arg7 : memref<!tpu.dma_semaphore, #tpu.memory_space<semaphore_mem>>)
    %dma_start3A_30 = arith.constant 0 : i32
    %dma_start3A_31 = arith.constant 1 : i32
    %dma_start3A_32 = arith.constant 0 : i32
    %dma_start3A_33 = arith.constant 1 : i32
    %dma_start3A_34 = arith.constant 0 : i32
    %dma_start3A_35 = arith.constant 0 : i32
    %dma_start3A_36 = tpu.memref_slice %arg6[%dma_start3A_32, %dma_start3A_33, %dma_start3A_34, %dma_start3A_35] : memref<2x4x200x64xf32, #tpu.memory_space<vmem>> -> memref<1x1x128x64xf32, #tpu.memory_space<vmem>>
    %dma_start3A_37 = tpu.memref_squeeze %dma_start3A_36 : memref<1x1x128x64xf32, #tpu.memory_space<vmem>> -> memref<128x64xf32, #tpu.memory_space<vmem>>
    %dma_start3A_38 = arith.constant 0 : i32
    %dma_start3A_39 = tpu.memref_slice %arg5[%dma_start3A_30, %dma_start3A_31, %dma_start3A_38] : memref<2x4x200xi32, #tpu.memory_space<vmem>> -> memref<1x1x128xi32, #tpu.memory_space<vmem>>
    %dma_start3A_40 = tpu.memref_squeeze %dma_start3A_39 : memref<1x1x128xi32, #tpu.memory_space<vmem>> -> memref<128xi32, #tpu.memory_space<vmem>>
    %dma_start3A_41 = arith.constant 0 : i32
    %dma_start3A_42 = arith.constant 0 : i32
    %dma_start3A_43 = tpu.memref_slice %arg2[%dma_start3A_41, %dma_start3A_42] : memref<1000000x64xf32, #tpu.memory_space<hbm>> -> memref<1000000x64xf32, #tpu.memory_space<hbm>>
    tpu.enqueue_indirect_dma source(%dma_start3A_43 : memref<1000000x64xf32, #tpu.memory_space<hbm>>) target(%dma_start3A_37 : memref<128x64xf32, #tpu.memory_space<vmem>>) offsets(%dma_start3A_40 : memref<128xi32, #tpu.memory_space<vmem>>) semaphore(%arg7 : memref<!tpu.dma_semaphore, #tpu.memory_space<semaphore_mem>>)
    %dma_start3A_44 = arith.constant 0 : i32
    %dma_start3A_45 = arith.constant 1 : i32
    %dma_start3A_46 = arith.constant 0 : i32
    %dma_start3A_47 = arith.constant 1 : i32
    %dma_start3A_48 = arith.constant 128 : i32
    %dma_start3A_49 = arith.constant 0 : i32
    %dma_start3A_50 = tpu.memref_slice %arg6[%dma_start3A_46, %dma_start3A_47, %dma_start3A_48, %dma_start3A_49] : memref<2x4x200x64xf32, #tpu.memory_space<vmem>> -> memref<1x1x72x64xf32, #tpu.memory_space<vmem>>
    %dma_start3A_51 = tpu.memref_squeeze %dma_start3A_50 : memref<1x1x72x64xf32, #tpu.memory_space<vmem>> -> memref<72x64xf32, #tpu.memory_space<vmem>>
    %dma_start3A_52 = arith.constant 128 : i32
    %dma_start3A_53 = tpu.memref_slice %arg5[%dma_start3A_44, %dma_start3A_45, %dma_start3A_52] : memref<2x4x200xi32, #tpu.memory_space<vmem>> -> memref<1x1x72xi32, #tpu.memory_space<vmem>>
    %dma_start3A_54 = tpu.memref_squeeze %dma_start3A_53 : memref<1x1x72xi32, #tpu.memory_space<vmem>> -> memref<72xi32, #tpu.memory_space<vmem>>
    %dma_start3A_55 = arith.constant 0 : i32
    %dma_start3A_56 = arith.constant 0 : i32
    %dma_start3A_57 = tpu.memref_slice %arg2[%dma_start3A_55, %dma_start3A_56] : memref<1000000x64xf32, #tpu.memory_space<hbm>> -> memref<1000000x64xf32, #tpu.memory_space<hbm>>
    tpu.enqueue_indirect_dma source(%dma_start3A_57 : memref<1000000x64xf32, #tpu.memory_space<hbm>>) target(%dma_start3A_51 : memref<72x64xf32, #tpu.memory_space<vmem>>) offsets(%dma_start3A_54 : memref<72xi32, #tpu.memory_space<vmem>>) semaphore(%arg7 : memref<!tpu.dma_semaphore, #tpu.memory_space<semaphore_mem>>)
    %dma_start3A_58 = arith.constant 0 : i32
    %dma_start3A_59 = arith.constant 2 : i32
    %dma_start3A_60 = arith.constant 0 : i32
    %dma_start3A_61 = arith.constant 2 : i32
    %dma_start3A_62 = arith.constant 0 : i32
    %dma_start3A_63 = arith.constant 0 : i32
    %dma_start3A_64 = tpu.memref_slice %arg6[%dma_start3A_60, %dma_start3A_61, %dma_start3A_62, %dma_start3A_63] : memref<2x4x200x64xf32, #tpu.memory_space<vmem>> -> memref<1x1x128x64xf32, #tpu.memory_space<vmem>>
    %dma_start3A_65 = tpu.memref_squeeze %dma_start3A_64 : memref<1x1x128x64xf32, #tpu.memory_space<vmem>> -> memref<128x64xf32, #tpu.memory_space<vmem>>
    %dma_start3A_66 = arith.constant 0 : i32
    %dma_start3A_67 = tpu.memref_slice %arg5[%dma_start3A_58, %dma_start3A_59, %dma_start3A_66] : memref<2x4x200xi32, #tpu.memory_space<vmem>> -> memref<1x1x128xi32, #tpu.memory_space<vmem>>
    %dma_start3A_68 = tpu.memref_squeeze %dma_start3A_67 : memref<1x1x128xi32, #tpu.memory_space<vmem>> -> memref<128xi32, #tpu.memory_space<vmem>>
    %dma_start3A_69 = arith.constant 0 : i32
    %dma_start3A_70 = arith.constant 0 : i32
    %dma_start3A_71 = tpu.memref_slice %arg2[%dma_start3A_69, %dma_start3A_70] : memref<1000000x64xf32, #tpu.memory_space<hbm>> -> memref<1000000x64xf32, #tpu.memory_space<hbm>>
    tpu.enqueue_indirect_dma source(%dma_start3A_71 : memref<1000000x64xf32, #tpu.memory_space<hbm>>) target(%dma_start3A_65 : memref<128x64xf32, #tpu.memory_space<vmem>>) offsets(%dma_start3A_68 : memref<128xi32, #tpu.memory_space<vmem>>) semaphore(%arg7 : memref<!tpu.dma_semaphore, #tpu.memory_space<semaphore_mem>>)
    %dma_start3A_72 = arith.constant 0 : i32
    %dma_start3A_73 = arith.constant 2 : i32
    %dma_start3A_74 = arith.constant 0 : i32
    %dma_start3A_75 = arith.constant 2 : i32
    %dma_start3A_76 = arith.constant 128 : i32
    %dma_start3A_77 = arith.constant 0 : i32
    %dma_start3A_78 = tpu.memref_slice %arg6[%dma_start3A_74, %dma_start3A_75, %dma_start3A_76, %dma_start3A_77] : memref<2x4x200x64xf32, #tpu.memory_space<vmem>> -> memref<1x1x72x64xf32, #tpu.memory_space<vmem>>
    %dma_start3A_79 = tpu.memref_squeeze %dma_start3A_78 : memref<1x1x72x64xf32, #tpu.memory_space<vmem>> -> memref<72x64xf32, #tpu.memory_space<vmem>>
    %dma_start3A_80 = arith.constant 128 : i32
    %dma_start3A_81 = tpu.memref_slice %arg5[%dma_start3A_72, %dma_start3A_73, %dma_start3A_80] : memref<2x4x200xi32, #tpu.memory_space<vmem>> -> memref<1x1x72xi32, #tpu.memory_space<vmem>>
    %dma_start3A_82 = tpu.memref_squeeze %dma_start3A_81 : memref<1x1x72xi32, #tpu.memory_space<vmem>> -> memref<72xi32, #tpu.memory_space<vmem>>
    %dma_start3A_83 = arith.constant 0 : i32
    %dma_start3A_84 = arith.constant 0 : i32
    %dma_start3A_85 = tpu.memref_slice %arg2[%dma_start3A_83, %dma_start3A_84] : memref<1000000x64xf32, #tpu.memory_space<hbm>> -> memref<1000000x64xf32, #tpu.memory_space<hbm>>
    tpu.enqueue_indirect_dma source(%dma_start3A_85 : memref<1000000x64xf32, #tpu.memory_space<hbm>>) target(%dma_start3A_79 : memref<72x64xf32, #tpu.memory_space<vmem>>) offsets(%dma_start3A_82 : memref<72xi32, #tpu.memory_space<vmem>>) semaphore(%arg7 : memref<!tpu.dma_semaphore, #tpu.memory_space<semaphore_mem>>)
    %dma_start3A_86 = arith.constant 0 : i32
    %dma_start3A_87 = arith.constant 3 : i32
    %dma_start3A_88 = arith.constant 0 : i32
    %dma_start3A_89 = arith.constant 3 : i32
    %dma_start3A_90 = arith.constant 0 : i32
    %dma_start3A_91 = arith.constant 0 : i32
    %dma_start3A_92 = tpu.memref_slice %arg6[%dma_start3A_88, %dma_start3A_89, %dma_start3A_90, %dma_start3A_91] : memref<2x4x200x64xf32, #tpu.memory_space<vmem>> -> memref<1x1x128x64xf32, #tpu.memory_space<vmem>>
    %dma_start3A_93 = tpu.memref_squeeze %dma_start3A_92 : memref<1x1x128x64xf32, #tpu.memory_space<vmem>> -> memref<128x64xf32, #tpu.memory_space<vmem>>
    %dma_start3A_94 = arith.constant 0 : i32
    %dma_start3A_95 = tpu.memref_slice %arg5[%dma_start3A_86, %dma_start3A_87, %dma_start3A_94] : memref<2x4x200xi32, #tpu.memory_space<vmem>> -> memref<1x1x128xi32, #tpu.memory_space<vmem>>
    %dma_start3A_96 = tpu.memref_squeeze %dma_start3A_95 : memref<1x1x128xi32, #tpu.memory_space<vmem>> -> memref<128xi32, #tpu.memory_space<vmem>>
    %dma_start3A_97 = arith.constant 0 : i32
    %dma_start3A_98 = arith.constant 0 : i32
    %dma_start3A_99 = tpu.memref_slice %arg2[%dma_start3A_97, %dma_start3A_98] : memref<1000000x64xf32, #tpu.memory_space<hbm>> -> memref<1000000x64xf32, #tpu.memory_space<hbm>>
    tpu.enqueue_indirect_dma source(%dma_start3A_99 : memref<1000000x64xf32, #tpu.memory_space<hbm>>) target(%dma_start3A_93 : memref<128x64xf32, #tpu.memory_space<vmem>>) offsets(%dma_start3A_96 : memref<128xi32, #tpu.memory_space<vmem>>) semaphore(%arg7 : memref<!tpu.dma_semaphore, #tpu.memory_space<semaphore_mem>>)
    %dma_start3A_100 = arith.constant 0 : i32
    %dma_start3A_101 = arith.constant 3 : i32
    %dma_start3A_102 = arith.constant 0 : i32
    %dma_start3A_103 = arith.constant 3 : i32
    %dma_start3A_104 = arith.constant 128 : i32
    %dma_start3A_105 = arith.constant 0 : i32
    %dma_start3A_106 = tpu.memref_slice %arg6[%dma_start3A_102, %dma_start3A_103, %dma_start3A_104, %dma_start3A_105] : memref<2x4x200x64xf32, #tpu.memory_space<vmem>> -> memref<1x1x72x64xf32, #tpu.memory_space<vmem>>
    %dma_start3A_107 = tpu.memref_squeeze %dma_start3A_106 : memref<1x1x72x64xf32, #tpu.memory_space<vmem>> -> memref<72x64xf32, #tpu.memory_space<vmem>>
    %dma_start3A_108 = arith.constant 128 : i32
    %dma_start3A_109 = tpu.memref_slice %arg5[%dma_start3A_100, %dma_start3A_101, %dma_start3A_108] : memref<2x4x200xi32, #tpu.memory_space<vmem>> -> memref<1x1x72xi32, #tpu.memory_space<vmem>>
    %dma_start3A_110 = tpu.memref_squeeze %dma_start3A_109 : memref<1x1x72xi32, #tpu.memory_space<vmem>> -> memref<72xi32, #tpu.memory_space<vmem>>
    %dma_start3A_111 = arith.constant 0 : i32
    %dma_start3A_112 = arith.constant 0 : i32
    %dma_start3A_113 = tpu.memref_slice %arg2[%dma_start3A_111, %dma_start3A_112] : memref<1000000x64xf32, #tpu.memory_space<hbm>> -> memref<1000000x64xf32, #tpu.memory_space<hbm>>
    tpu.enqueue_indirect_dma source(%dma_start3A_113 : memref<1000000x64xf32, #tpu.memory_space<hbm>>) target(%dma_start3A_107 : memref<72x64xf32, #tpu.memory_space<vmem>>) offsets(%dma_start3A_110 : memref<72xi32, #tpu.memory_space<vmem>>) semaphore(%arg7 : memref<!tpu.dma_semaphore, #tpu.memory_space<semaphore_mem>>)
    %add3A_114 = arith.constant 4 : i32
    %add3A_115 = arith.addi %mul3A_2, %add3A_114 : i32
    %run_scoped3A_116 = arith.constant 1 : i32
    "tpu.region"() ({
      %run_scoped3A_137 = tpu.sem_alloc : memref<!tpu.dma_semaphore, #tpu.memory_space<semaphore_mem>>
      %dma_start3A_138 = arith.constant 0 : i32
      %dma_start3A_139 = arith.constant 0 : i32
      %dma_start3A_140 = tpu.memref_slice %arg5[%run_scoped3A_116, %dma_start3A_138, %dma_start3A_139] : memref<2x4x200xi32, #tpu.memory_space<vmem>> -> memref<1x4x200xi32, #tpu.memory_space<vmem>>
      %dma_start3A_141 = tpu.memref_squeeze %dma_start3A_140 : memref<1x4x200xi32, #tpu.memory_space<vmem>> -> memref<4x200xi32, #tpu.memory_space<vmem>>
      %dma_start3A_142 = arith.constant 0 : i32
      %dma_start3A_143 = tpu.memref_slice %arg3[%add3A_115, %dma_start3A_142] : memref<16384x200xi32, #tpu.memory_space<hbm>> -> memref<4x200xi32, #tpu.memory_space<hbm>>
      %dma_start3A_144 = arith.constant 0 : i32
      %dma_start3A_145 = arith.constant 0 : i32
      %dma_start3A_146 = tpu.memref_slice %arg5[%run_scoped3A_116, %dma_start3A_144, %dma_start3A_145] : memref<2x4x200xi32, #tpu.memory_space<vmem>> -> memref<1x4x200xi32, #tpu.memory_space<vmem>>
      %dma_start3A_147 = tpu.memref_squeeze %dma_start3A_146 : memref<1x4x200xi32, #tpu.memory_space<vmem>> -> memref<4x200xi32, #tpu.memory_space<vmem>>
      %dma_start3A_148 = arith.constant 0 : i32
      %dma_start3A_149 = tpu.memref_slice %arg3[%add3A_115, %dma_start3A_148] : memref<16384x200xi32, #tpu.memory_space<hbm>> -> memref<4x200xi32, #tpu.memory_space<hbm>>
      tpu.enqueue_dma source(%dma_start3A_149 : memref<4x200xi32, #tpu.memory_space<hbm>>) target(%dma_start3A_147 : memref<4x200xi32, #tpu.memory_space<vmem>>) target_semaphore(%run_scoped3A_137 : memref<!tpu.dma_semaphore, #tpu.memory_space<semaphore_mem>>)
      %dma_wait3A_150 = arith.constant 0 : i32
      %dma_wait3A_151 = arith.constant 0 : i32
      %dma_wait3A_152 = tpu.memref_slice %arg5[%run_scoped3A_116, %dma_wait3A_150, %dma_wait3A_151] : memref<2x4x200xi32, #tpu.memory_space<vmem>> -> memref<1x4x200xi32, #tpu.memory_space<vmem>>
      %dma_wait3A_153 = tpu.memref_squeeze %dma_wait3A_152 : memref<1x4x200xi32, #tpu.memory_space<vmem>> -> memref<4x200xi32, #tpu.memory_space<vmem>>
      %dma_wait3A_154 = arith.constant 0 : i32
      %dma_wait3A_155 = tpu.memref_slice %arg3[%add3A_115, %dma_wait3A_154] : memref<16384x200xi32, #tpu.memory_space<hbm>> -> memref<4x200xi32, #tpu.memory_space<hbm>>
      %dma_wait3A_156 = arith.constant 0 : i32
      %dma_wait3A_157 = arith.constant 0 : i32
      %dma_wait3A_158 = tpu.memref_slice %arg5[%run_scoped3A_116, %dma_wait3A_156, %dma_wait3A_157] : memref<2x4x200xi32, #tpu.memory_space<vmem>> -> memref<1x4x200xi32, #tpu.memory_space<vmem>>
      %dma_wait3A_159 = tpu.memref_squeeze %dma_wait3A_158 : memref<1x4x200xi32, #tpu.memory_space<vmem>> -> memref<4x200xi32, #tpu.memory_space<vmem>>
      %dma_wait3A_160 = arith.constant 0 : i32
      %dma_wait3A_161 = tpu.memref_slice %arg3[%add3A_115, %dma_wait3A_160] : memref<16384x200xi32, #tpu.memory_space<hbm>> -> memref<4x200xi32, #tpu.memory_space<hbm>>
      tpu.wait_dma2 semaphore(%run_scoped3A_137 : memref<!tpu.dma_semaphore, #tpu.memory_space<semaphore_mem>>) src(%dma_wait3A_161 : memref<4x200xi32, #tpu.memory_space<hbm>>) dst(%dma_wait3A_159 : memref<4x200xi32, #tpu.memory_space<vmem>>)
      tpu.yield
    }) : () -> ()
    %scan3A = arith.constant 0 : i32
    %scan3A_117 = arith.constant 64 : i32
    %scan3A_118 = arith.addi %scan3A, %scan3A_117 : i32
    %scan3A_119 = arith.constant 1 : i32
    scf.for %scan3A_137 = %scan3A to %scan3A_118 step %scan3A_119  : i32 {
      %mul3A_138 = arith.constant 2 : i32
      %mul3A_139 = arith.muli %scan3A_137, %mul3A_138 : i32
      %add3A_140 = arith.constant 0 : i32
      %add3A_141 = arith.addi %add3A_140, %mul3A_139 : i32
      %add3A_142 = arith.constant 0 : i32
      %add3A_143 = arith.addi %add3A_141, %add3A_142 : i32
      %mul3A_144 = arith.constant 4 : i32
      %mul3A_145 = arith.muli %add3A_143, %mul3A_144 : i32
      %add3A_146 = arith.addi %mul3A_2, %mul3A_145 : i32
      %ge3A = arith.constant 1 : i32
      %ge3A_147 = arith.cmpi sge, %add3A_143, %ge3A : i32
      %convert_element_type3A = arith.extui %ge3A_147 : i1 to i32
      %cond3A = arith.constant 0 : i32
      %cond3A_148 = arith.cmpi ne, %convert_element_type3A, %cond3A : i32
      scf.if %cond3A_148 {
        %sub3A = arith.constant 4 : i32
        %sub3A_444 = arith.subi %add3A_146, %sub3A : i32
        %dma_wait3A_445 = arith.constant 1 : i32
        %dma_wait3A_446 = arith.constant 0 : i32
        %dma_wait3A_447 = arith.constant 0 : i32
        %dma_wait3A_448 = arith.constant 0 : i32
        %dma_wait3A_449 = tpu.memref_slice %arg6[%dma_wait3A_445, %dma_wait3A_446, %dma_wait3A_447, %dma_wait3A_448] : memref<2x4x200x64xf32, #tpu.memory_space<vmem>> -> memref<1x4x200x64xf32, #tpu.memory_space<vmem>>
        %dma_wait3A_450 = tpu.memref_squeeze %dma_wait3A_449 : memref<1x4x200x64xf32, #tpu.memory_space<vmem>> -> memref<4x200x64xf32, #tpu.memory_space<vmem>>
        %dma_wait3A_451 = arith.constant 0 : i32
        %dma_wait3A_452 = arith.constant 0 : i32
        %dma_wait3A_453 = tpu.memref_slice %arg4[%sub3A_444, %dma_wait3A_451, %dma_wait3A_452] : memref<16384x200x128xf32, #tpu.memory_space<hbm>> -> memref<4x200x64xf32, #tpu.memory_space<hbm>>
        %dma_wait3A_454 = arith.constant 0 : i32
        %dma_wait3A_455 = arith.constant 0 : i32
        %dma_wait3A_456 = tpu.memref_slice %arg4[%sub3A_444, %dma_wait3A_454, %dma_wait3A_455] : memref<16384x200x128xf32, #tpu.memory_space<hbm>> -> memref<4x200x64xf32, #tpu.memory_space<hbm>>
        %dma_wait3A_457 = arith.constant 0 : i32
        %dma_wait3A_458 = arith.constant 0 : i32
        %dma_wait3A_459 = arith.constant 0 : i32
        %dma_wait3A_460 = tpu.memref_slice %arg6[%dma_wait3A_445, %dma_wait3A_457, %dma_wait3A_458, %dma_wait3A_459] : memref<2x4x200x64xf32, #tpu.memory_space<vmem>> -> memref<1x4x200x64xf32, #tpu.memory_space<vmem>>
        %dma_wait3A_461 = tpu.memref_squeeze %dma_wait3A_460 : memref<1x4x200x64xf32, #tpu.memory_space<vmem>> -> memref<4x200x64xf32, #tpu.memory_space<vmem>>
        tpu.wait_dma2 semaphore(%arg9 : memref<!tpu.dma_semaphore, #tpu.memory_space<semaphore_mem>>) src(%dma_wait3A_461 : memref<4x200x64xf32, #tpu.memory_space<vmem>>) dst(%dma_wait3A_456 : memref<4x200x64xf32, #tpu.memory_space<hbm>>)
      } else {
      }
      %add3A_149 = arith.constant 1 : i32
      %add3A_150 = arith.addi %add3A_143, %add3A_149 : i32
      %lt3A = arith.constant 128 : i32
      %lt3A_151 = arith.cmpi slt, %add3A_150, %lt3A : i32
      %convert_element_type3A_152 = arith.extui %lt3A_151 : i1 to i32
      %cond3A_153 = arith.constant 0 : i32
      %cond3A_154 = arith.cmpi ne, %convert_element_type3A_152, %cond3A_153 : i32
      scf.if %cond3A_154 {
        %add3A_444 = arith.constant 4 : i32
        %add3A_445 = arith.addi %add3A_146, %add3A_444 : i32
        %dma_start3A_446 = arith.constant 1 : i32
        %dma_start3A_447 = arith.constant 0 : i32
        %dma_start3A_448 = arith.constant 1 : i32
        %dma_start3A_449 = arith.constant 0 : i32
        %dma_start3A_450 = arith.constant 0 : i32
        %dma_start3A_451 = arith.constant 0 : i32
        %dma_start3A_452 = tpu.memref_slice %arg6[%dma_start3A_448, %dma_start3A_449, %dma_start3A_450, %dma_start3A_451] : memref<2x4x200x64xf32, #tpu.memory_space<vmem>> -> memref<1x1x128x64xf32, #tpu.memory_space<vmem>>
        %dma_start3A_453 = tpu.memref_squeeze %dma_start3A_452 : memref<1x1x128x64xf32, #tpu.memory_space<vmem>> -> memref<128x64xf32, #tpu.memory_space<vmem>>
        %dma_start3A_454 = arith.constant 0 : i32
        %dma_start3A_455 = tpu.memref_slice %arg5[%dma_start3A_446, %dma_start3A_447, %dma_start3A_454] : memref<2x4x200xi32, #tpu.memory_space<vmem>> -> memref<1x1x128xi32, #tpu.memory_space<vmem>>
        %dma_start3A_456 = tpu.memref_squeeze %dma_start3A_455 : memref<1x1x128xi32, #tpu.memory_space<vmem>> -> memref<128xi32, #tpu.memory_space<vmem>>
        %dma_start3A_457 = arith.constant 0 : i32
        %dma_start3A_458 = arith.constant 0 : i32
        %dma_start3A_459 = tpu.memref_slice %arg2[%dma_start3A_457, %dma_start3A_458] : memref<1000000x64xf32, #tpu.memory_space<hbm>> -> memref<1000000x64xf32, #tpu.memory_space<hbm>>
        tpu.enqueue_indirect_dma source(%dma_start3A_459 : memref<1000000x64xf32, #tpu.memory_space<hbm>>) target(%dma_start3A_453 : memref<128x64xf32, #tpu.memory_space<vmem>>) offsets(%dma_start3A_456 : memref<128xi32, #tpu.memory_space<vmem>>) semaphore(%arg7 : memref<!tpu.dma_semaphore, #tpu.memory_space<semaphore_mem>>)
        %dma_start3A_460 = arith.constant 1 : i32
        %dma_start3A_461 = arith.constant 0 : i32
        %dma_start3A_462 = arith.constant 1 : i32
        %dma_start3A_463 = arith.constant 0 : i32
        %dma_start3A_464 = arith.constant 128 : i32
        %dma_start3A_465 = arith.constant 0 : i32
        %dma_start3A_466 = tpu.memref_slice %arg6[%dma_start3A_462, %dma_start3A_463, %dma_start3A_464, %dma_start3A_465] : memref<2x4x200x64xf32, #tpu.memory_space<vmem>> -> memref<1x1x72x64xf32, #tpu.memory_space<vmem>>
        %dma_start3A_467 = tpu.memref_squeeze %dma_start3A_466 : memref<1x1x72x64xf32, #tpu.memory_space<vmem>> -> memref<72x64xf32, #tpu.memory_space<vmem>>
        %dma_start3A_468 = arith.constant 128 : i32
        %dma_start3A_469 = tpu.memref_slice %arg5[%dma_start3A_460, %dma_start3A_461, %dma_start3A_468] : memref<2x4x200xi32, #tpu.memory_space<vmem>> -> memref<1x1x72xi32, #tpu.memory_space<vmem>>
        %dma_start3A_470 = tpu.memref_squeeze %dma_start3A_469 : memref<1x1x72xi32, #tpu.memory_space<vmem>> -> memref<72xi32, #tpu.memory_space<vmem>>
        %dma_start3A_471 = arith.constant 0 : i32
        %dma_start3A_472 = arith.constant 0 : i32
        %dma_start3A_473 = tpu.memref_slice %arg2[%dma_start3A_471, %dma_start3A_472] : memref<1000000x64xf32, #tpu.memory_space<hbm>> -> memref<1000000x64xf32, #tpu.memory_space<hbm>>
        tpu.enqueue_indirect_dma source(%dma_start3A_473 : memref<1000000x64xf32, #tpu.memory_space<hbm>>) target(%dma_start3A_467 : memref<72x64xf32, #tpu.memory_space<vmem>>) offsets(%dma_start3A_470 : memref<72xi32, #tpu.memory_space<vmem>>) semaphore(%arg7 : memref<!tpu.dma_semaphore, #tpu.memory_space<semaphore_mem>>)
        %dma_start3A_474 = arith.constant 1 : i32
        %dma_start3A_475 = arith.constant 1 : i32
        %dma_start3A_476 = arith.constant 1 : i32
        %dma_start3A_477 = arith.constant 1 : i32
        %dma_start3A_478 = arith.constant 0 : i32
        %dma_start3A_479 = arith.constant 0 : i32
        %dma_start3A_480 = tpu.memref_slice %arg6[%dma_start3A_476, %dma_start3A_477, %dma_start3A_478, %dma_start3A_479] : memref<2x4x200x64xf32, #tpu.memory_space<vmem>> -> memref<1x1x128x64xf32, #tpu.memory_space<vmem>>
        %dma_start3A_481 = tpu.memref_squeeze %dma_start3A_480 : memref<1x1x128x64xf32, #tpu.memory_space<vmem>> -> memref<128x64xf32, #tpu.memory_space<vmem>>
        %dma_start3A_482 = arith.constant 0 : i32
        %dma_start3A_483 = tpu.memref_slice %arg5[%dma_start3A_474, %dma_start3A_475, %dma_start3A_482] : memref<2x4x200xi32, #tpu.memory_space<vmem>> -> memref<1x1x128xi32, #tpu.memory_space<vmem>>
        %dma_start3A_484 = tpu.memref_squeeze %dma_start3A_483 : memref<1x1x128xi32, #tpu.memory_space<vmem>> -> memref<128xi32, #tpu.memory_space<vmem>>
        %dma_start3A_485 = arith.constant 0 : i32
        %dma_start3A_486 = arith.constant 0 : i32
        %dma_start3A_487 = tpu.memref_slice %arg2[%dma_start3A_485, %dma_start3A_486] : memref<1000000x64xf32, #tpu.memory_space<hbm>> -> memref<1000000x64xf32, #tpu.memory_space<hbm>>
        tpu.enqueue_indirect_dma source(%dma_start3A_487 : memref<1000000x64xf32, #tpu.memory_space<hbm>>) target(%dma_start3A_481 : memref<128x64xf32, #tpu.memory_space<vmem>>) offsets(%dma_start3A_484 : memref<128xi32, #tpu.memory_space<vmem>>) semaphore(%arg7 : memref<!tpu.dma_semaphore, #tpu.memory_space<semaphore_mem>>)
        %dma_start3A_488 = arith.constant 1 : i32
        %dma_start3A_489 = arith.constant 1 : i32
        %dma_start3A_490 = arith.constant 1 : i32
        %dma_start3A_491 = arith.constant 1 : i32
        %dma_start3A_492 = arith.constant 128 : i32
        %dma_start3A_493 = arith.constant 0 : i32
        %dma_start3A_494 = tpu.memref_slice %arg6[%dma_start3A_490, %dma_start3A_491, %dma_start3A_492, %dma_start3A_493] : memref<2x4x200x64xf32, #tpu.memory_space<vmem>> -> memref<1x1x72x64xf32, #tpu.memory_space<vmem>>
        %dma_start3A_495 = tpu.memref_squeeze %dma_start3A_494 : memref<1x1x72x64xf32, #tpu.memory_space<vmem>> -> memref<72x64xf32, #tpu.memory_space<vmem>>
        %dma_start3A_496 = arith.constant 128 : i32
        %dma_start3A_497 = tpu.memref_slice %arg5[%dma_start3A_488, %dma_start3A_489, %dma_start3A_496] : memref<2x4x200xi32, #tpu.memory_space<vmem>> -> memref<1x1x72xi32, #tpu.memory_space<vmem>>
        %dma_start3A_498 = tpu.memref_squeeze %dma_start3A_497 : memref<1x1x72xi32, #tpu.memory_space<vmem>> -> memref<72xi32, #tpu.memory_space<vmem>>
        %dma_start3A_499 = arith.constant 0 : i32
        %dma_start3A_500 = arith.constant 0 : i32
        %dma_start3A_501 = tpu.memref_slice %arg2[%dma_start3A_499, %dma_start3A_500] : memref<1000000x64xf32, #tpu.memory_space<hbm>> -> memref<1000000x64xf32, #tpu.memory_space<hbm>>
        tpu.enqueue_indirect_dma source(%dma_start3A_501 : memref<1000000x64xf32, #tpu.memory_space<hbm>>) target(%dma_start3A_495 : memref<72x64xf32, #tpu.memory_space<vmem>>) offsets(%dma_start3A_498 : memref<72xi32, #tpu.memory_space<vmem>>) semaphore(%arg7 : memref<!tpu.dma_semaphore, #tpu.memory_space<semaphore_mem>>)
        %dma_start3A_502 = arith.constant 1 : i32
        %dma_start3A_503 = arith.constant 2 : i32
        %dma_start3A_504 = arith.constant 1 : i32
        %dma_start3A_505 = arith.constant 2 : i32
        %dma_start3A_506 = arith.constant 0 : i32
        %dma_start3A_507 = arith.constant 0 : i32
        %dma_start3A_508 = tpu.memref_slice %arg6[%dma_start3A_504, %dma_start3A_505, %dma_start3A_506, %dma_start3A_507] : memref<2x4x200x64xf32, #tpu.memory_space<vmem>> -> memref<1x1x128x64xf32, #tpu.memory_space<vmem>>
        %dma_start3A_509 = tpu.memref_squeeze %dma_start3A_508 : memref<1x1x128x64xf32, #tpu.memory_space<vmem>> -> memref<128x64xf32, #tpu.memory_space<vmem>>
        %dma_start3A_510 = arith.constant 0 : i32
        %dma_start3A_511 = tpu.memref_slice %arg5[%dma_start3A_502, %dma_start3A_503, %dma_start3A_510] : memref<2x4x200xi32, #tpu.memory_space<vmem>> -> memref<1x1x128xi32, #tpu.memory_space<vmem>>
        %dma_start3A_512 = tpu.memref_squeeze %dma_start3A_511 : memref<1x1x128xi32, #tpu.memory_space<vmem>> -> memref<128xi32, #tpu.memory_space<vmem>>
        %dma_start3A_513 = arith.constant 0 : i32
        %dma_start3A_514 = arith.constant 0 : i32
        %dma_start3A_515 = tpu.memref_slice %arg2[%dma_start3A_513, %dma_start3A_514] : memref<1000000x64xf32, #tpu.memory_space<hbm>> -> memref<1000000x64xf32, #tpu.memory_space<hbm>>
        tpu.enqueue_indirect_dma source(%dma_start3A_515 : memref<1000000x64xf32, #tpu.memory_space<hbm>>) target(%dma_start3A_509 : memref<128x64xf32, #tpu.memory_space<vmem>>) offsets(%dma_start3A_512 : memref<128xi32, #tpu.memory_space<vmem>>) semaphore(%arg7 : memref<!tpu.dma_semaphore, #tpu.memory_space<semaphore_mem>>)
        %dma_start3A_516 = arith.constant 1 : i32
        %dma_start3A_517 = arith.constant 2 : i32
        %dma_start3A_518 = arith.constant 1 : i32
        %dma_start3A_519 = arith.constant 2 : i32
        %dma_start3A_520 = arith.constant 128 : i32
        %dma_start3A_521 = arith.constant 0 : i32
        %dma_start3A_522 = tpu.memref_slice %arg6[%dma_start3A_518, %dma_start3A_519, %dma_start3A_520, %dma_start3A_521] : memref<2x4x200x64xf32, #tpu.memory_space<vmem>> -> memref<1x1x72x64xf32, #tpu.memory_space<vmem>>
        %dma_start3A_523 = tpu.memref_squeeze %dma_start3A_522 : memref<1x1x72x64xf32, #tpu.memory_space<vmem>> -> memref<72x64xf32, #tpu.memory_space<vmem>>
        %dma_start3A_524 = arith.constant 128 : i32
        %dma_start3A_525 = tpu.memref_slice %arg5[%dma_start3A_516, %dma_start3A_517, %dma_start3A_524] : memref<2x4x200xi32, #tpu.memory_space<vmem>> -> memref<1x1x72xi32, #tpu.memory_space<vmem>>
        %dma_start3A_526 = tpu.memref_squeeze %dma_start3A_525 : memref<1x1x72xi32, #tpu.memory_space<vmem>> -> memref<72xi32, #tpu.memory_space<vmem>>
        %dma_start3A_527 = arith.constant 0 : i32
        %dma_start3A_528 = arith.constant 0 : i32
        %dma_start3A_529 = tpu.memref_slice %arg2[%dma_start3A_527, %dma_start3A_528] : memref<1000000x64xf32, #tpu.memory_space<hbm>> -> memref<1000000x64xf32, #tpu.memory_space<hbm>>
        tpu.enqueue_indirect_dma source(%dma_start3A_529 : memref<1000000x64xf32, #tpu.memory_space<hbm>>) target(%dma_start3A_523 : memref<72x64xf32, #tpu.memory_space<vmem>>) offsets(%dma_start3A_526 : memref<72xi32, #tpu.memory_space<vmem>>) semaphore(%arg7 : memref<!tpu.dma_semaphore, #tpu.memory_space<semaphore_mem>>)
        %dma_start3A_530 = arith.constant 1 : i32
        %dma_start3A_531 = arith.constant 3 : i32
        %dma_start3A_532 = arith.constant 1 : i32
        %dma_start3A_533 = arith.constant 3 : i32
        %dma_start3A_534 = arith.constant 0 : i32
        %dma_start3A_535 = arith.constant 0 : i32
        %dma_start3A_536 = tpu.memref_slice %arg6[%dma_start3A_532, %dma_start3A_533, %dma_start3A_534, %dma_start3A_535] : memref<2x4x200x64xf32, #tpu.memory_space<vmem>> -> memref<1x1x128x64xf32, #tpu.memory_space<vmem>>
        %dma_start3A_537 = tpu.memref_squeeze %dma_start3A_536 : memref<1x1x128x64xf32, #tpu.memory_space<vmem>> -> memref<128x64xf32, #tpu.memory_space<vmem>>
        %dma_start3A_538 = arith.constant 0 : i32
        %dma_start3A_539 = tpu.memref_slice %arg5[%dma_start3A_530, %dma_start3A_531, %dma_start3A_538] : memref<2x4x200xi32, #tpu.memory_space<vmem>> -> memref<1x1x128xi32, #tpu.memory_space<vmem>>
        %dma_start3A_540 = tpu.memref_squeeze %dma_start3A_539 : memref<1x1x128xi32, #tpu.memory_space<vmem>> -> memref<128xi32, #tpu.memory_space<vmem>>
        %dma_start3A_541 = arith.constant 0 : i32
        %dma_start3A_542 = arith.constant 0 : i32
        %dma_start3A_543 = tpu.memref_slice %arg2[%dma_start3A_541, %dma_start3A_542] : memref<1000000x64xf32, #tpu.memory_space<hbm>> -> memref<1000000x64xf32, #tpu.memory_space<hbm>>
        tpu.enqueue_indirect_dma source(%dma_start3A_543 : memref<1000000x64xf32, #tpu.memory_space<hbm>>) target(%dma_start3A_537 : memref<128x64xf32, #tpu.memory_space<vmem>>) offsets(%dma_start3A_540 : memref<128xi32, #tpu.memory_space<vmem>>) semaphore(%arg7 : memref<!tpu.dma_semaphore, #tpu.memory_space<semaphore_mem>>)
        %dma_start3A_544 = arith.constant 1 : i32
        %dma_start3A_545 = arith.constant 3 : i32
        %dma_start3A_546 = arith.constant 1 : i32
        %dma_start3A_547 = arith.constant 3 : i32
        %dma_start3A_548 = arith.constant 128 : i32
        %dma_start3A_549 = arith.constant 0 : i32
        %dma_start3A_550 = tpu.memref_slice %arg6[%dma_start3A_546, %dma_start3A_547, %dma_start3A_548, %dma_start3A_549] : memref<2x4x200x64xf32, #tpu.memory_space<vmem>> -> memref<1x1x72x64xf32, #tpu.memory_space<vmem>>
        %dma_start3A_551 = tpu.memref_squeeze %dma_start3A_550 : memref<1x1x72x64xf32, #tpu.memory_space<vmem>> -> memref<72x64xf32, #tpu.memory_space<vmem>>
        %dma_start3A_552 = arith.constant 128 : i32
        %dma_start3A_553 = tpu.memref_slice %arg5[%dma_start3A_544, %dma_start3A_545, %dma_start3A_552] : memref<2x4x200xi32, #tpu.memory_space<vmem>> -> memref<1x1x72xi32, #tpu.memory_space<vmem>>
        %dma_start3A_554 = tpu.memref_squeeze %dma_start3A_553 : memref<1x1x72xi32, #tpu.memory_space<vmem>> -> memref<72xi32, #tpu.memory_space<vmem>>
        %dma_start3A_555 = arith.constant 0 : i32
        %dma_start3A_556 = arith.constant 0 : i32
        %dma_start3A_557 = tpu.memref_slice %arg2[%dma_start3A_555, %dma_start3A_556] : memref<1000000x64xf32, #tpu.memory_space<hbm>> -> memref<1000000x64xf32, #tpu.memory_space<hbm>>
        tpu.enqueue_indirect_dma source(%dma_start3A_557 : memref<1000000x64xf32, #tpu.memory_space<hbm>>) target(%dma_start3A_551 : memref<72x64xf32, #tpu.memory_space<vmem>>) offsets(%dma_start3A_554 : memref<72xi32, #tpu.memory_space<vmem>>) semaphore(%arg7 : memref<!tpu.dma_semaphore, #tpu.memory_space<semaphore_mem>>)
      } else {
      }
      %dma_wait3A_155 = arith.constant 0 : i32
      %dma_wait3A_156 = arith.constant 0 : i32
      %dma_wait3A_157 = arith.constant 0 : i32
      %dma_wait3A_158 = arith.constant 0 : i32
      %dma_wait3A_159 = arith.constant 0 : i32
      %dma_wait3A_160 = arith.constant 0 : i32
      %dma_wait3A_161 = tpu.memref_slice %arg6[%dma_wait3A_157, %dma_wait3A_158, %dma_wait3A_159, %dma_wait3A_160] : memref<2x4x200x64xf32, #tpu.memory_space<vmem>> -> memref<1x1x128x64xf32, #tpu.memory_space<vmem>>
      %dma_wait3A_162 = tpu.memref_squeeze %dma_wait3A_161 : memref<1x1x128x64xf32, #tpu.memory_space<vmem>> -> memref<128x64xf32, #tpu.memory_space<vmem>>
      %dma_wait3A_163 = arith.constant 0 : i32
      %dma_wait3A_164 = tpu.memref_slice %arg5[%dma_wait3A_155, %dma_wait3A_156, %dma_wait3A_163] : memref<2x4x200xi32, #tpu.memory_space<vmem>> -> memref<1x1x128xi32, #tpu.memory_space<vmem>>
      %dma_wait3A_165 = tpu.memref_squeeze %dma_wait3A_164 : memref<1x1x128xi32, #tpu.memory_space<vmem>> -> memref<128xi32, #tpu.memory_space<vmem>>
      %dma_wait3A_166 = arith.constant 0 : i32
      %dma_wait3A_167 = arith.constant 0 : i32
      %dma_wait3A_168 = tpu.memref_slice %arg2[%dma_wait3A_166, %dma_wait3A_167] : memref<1000000x64xf32, #tpu.memory_space<hbm>> -> memref<1000000x64xf32, #tpu.memory_space<hbm>>
      tpu.wait_indirect_dma semaphore(%arg7 : memref<!tpu.dma_semaphore, #tpu.memory_space<semaphore_mem>>) src(%dma_wait3A_168 : memref<1000000x64xf32, #tpu.memory_space<hbm>>) dst(%dma_wait3A_162 : memref<128x64xf32, #tpu.memory_space<vmem>>)
      %dma_wait3A_169 = arith.constant 0 : i32
      %dma_wait3A_170 = arith.constant 0 : i32
      %dma_wait3A_171 = arith.constant 0 : i32
      %dma_wait3A_172 = arith.constant 0 : i32
      %dma_wait3A_173 = arith.constant 128 : i32
      %dma_wait3A_174 = arith.constant 0 : i32
      %dma_wait3A_175 = tpu.memref_slice %arg6[%dma_wait3A_171, %dma_wait3A_172, %dma_wait3A_173, %dma_wait3A_174] : memref<2x4x200x64xf32, #tpu.memory_space<vmem>> -> memref<1x1x72x64xf32, #tpu.memory_space<vmem>>
      %dma_wait3A_176 = tpu.memref_squeeze %dma_wait3A_175 : memref<1x1x72x64xf32, #tpu.memory_space<vmem>> -> memref<72x64xf32, #tpu.memory_space<vmem>>
      %dma_wait3A_177 = arith.constant 128 : i32
      %dma_wait3A_178 = tpu.memref_slice %arg5[%dma_wait3A_169, %dma_wait3A_170, %dma_wait3A_177] : memref<2x4x200xi32, #tpu.memory_space<vmem>> -> memref<1x1x72xi32, #tpu.memory_space<vmem>>
      %dma_wait3A_179 = tpu.memref_squeeze %dma_wait3A_178 : memref<1x1x72xi32, #tpu.memory_space<vmem>> -> memref<72xi32, #tpu.memory_space<vmem>>
      %dma_wait3A_180 = arith.constant 0 : i32
      %dma_wait3A_181 = arith.constant 0 : i32
      %dma_wait3A_182 = tpu.memref_slice %arg2[%dma_wait3A_180, %dma_wait3A_181] : memref<1000000x64xf32, #tpu.memory_space<hbm>> -> memref<1000000x64xf32, #tpu.memory_space<hbm>>
      tpu.wait_indirect_dma semaphore(%arg7 : memref<!tpu.dma_semaphore, #tpu.memory_space<semaphore_mem>>) src(%dma_wait3A_182 : memref<1000000x64xf32, #tpu.memory_space<hbm>>) dst(%dma_wait3A_176 : memref<72x64xf32, #tpu.memory_space<vmem>>)
      %dma_wait3A_183 = arith.constant 0 : i32
      %dma_wait3A_184 = arith.constant 1 : i32
      %dma_wait3A_185 = arith.constant 0 : i32
      %dma_wait3A_186 = arith.constant 1 : i32
      %dma_wait3A_187 = arith.constant 0 : i32
      %dma_wait3A_188 = arith.constant 0 : i32
      %dma_wait3A_189 = tpu.memref_slice %arg6[%dma_wait3A_185, %dma_wait3A_186, %dma_wait3A_187, %dma_wait3A_188] : memref<2x4x200x64xf32, #tpu.memory_space<vmem>> -> memref<1x1x128x64xf32, #tpu.memory_space<vmem>>
      %dma_wait3A_190 = tpu.memref_squeeze %dma_wait3A_189 : memref<1x1x128x64xf32, #tpu.memory_space<vmem>> -> memref<128x64xf32, #tpu.memory_space<vmem>>
      %dma_wait3A_191 = arith.constant 0 : i32
      %dma_wait3A_192 = tpu.memref_slice %arg5[%dma_wait3A_183, %dma_wait3A_184, %dma_wait3A_191] : memref<2x4x200xi32, #tpu.memory_space<vmem>> -> memref<1x1x128xi32, #tpu.memory_space<vmem>>
      %dma_wait3A_193 = tpu.memref_squeeze %dma_wait3A_192 : memref<1x1x128xi32, #tpu.memory_space<vmem>> -> memref<128xi32, #tpu.memory_space<vmem>>
      %dma_wait3A_194 = arith.constant 0 : i32
      %dma_wait3A_195 = arith.constant 0 : i32
      %dma_wait3A_196 = tpu.memref_slice %arg2[%dma_wait3A_194, %dma_wait3A_195] : memref<1000000x64xf32, #tpu.memory_space<hbm>> -> memref<1000000x64xf32, #tpu.memory_space<hbm>>
      tpu.wait_indirect_dma semaphore(%arg7 : memref<!tpu.dma_semaphore, #tpu.memory_space<semaphore_mem>>) src(%dma_wait3A_196 : memref<1000000x64xf32, #tpu.memory_space<hbm>>) dst(%dma_wait3A_190 : memref<128x64xf32, #tpu.memory_space<vmem>>)
      %dma_wait3A_197 = arith.constant 0 : i32
      %dma_wait3A_198 = arith.constant 1 : i32
      %dma_wait3A_199 = arith.constant 0 : i32
      %dma_wait3A_200 = arith.constant 1 : i32
      %dma_wait3A_201 = arith.constant 128 : i32
      %dma_wait3A_202 = arith.constant 0 : i32
      %dma_wait3A_203 = tpu.memref_slice %arg6[%dma_wait3A_199, %dma_wait3A_200, %dma_wait3A_201, %dma_wait3A_202] : memref<2x4x200x64xf32, #tpu.memory_space<vmem>> -> memref<1x1x72x64xf32, #tpu.memory_space<vmem>>
      %dma_wait3A_204 = tpu.memref_squeeze %dma_wait3A_203 : memref<1x1x72x64xf32, #tpu.memory_space<vmem>> -> memref<72x64xf32, #tpu.memory_space<vmem>>
      %dma_wait3A_205 = arith.constant 128 : i32
      %dma_wait3A_206 = tpu.memref_slice %arg5[%dma_wait3A_197, %dma_wait3A_198, %dma_wait3A_205] : memref<2x4x200xi32, #tpu.memory_space<vmem>> -> memref<1x1x72xi32, #tpu.memory_space<vmem>>
      %dma_wait3A_207 = tpu.memref_squeeze %dma_wait3A_206 : memref<1x1x72xi32, #tpu.memory_space<vmem>> -> memref<72xi32, #tpu.memory_space<vmem>>
      %dma_wait3A_208 = arith.constant 0 : i32
      %dma_wait3A_209 = arith.constant 0 : i32
      %dma_wait3A_210 = tpu.memref_slice %arg2[%dma_wait3A_208, %dma_wait3A_209] : memref<1000000x64xf32, #tpu.memory_space<hbm>> -> memref<1000000x64xf32, #tpu.memory_space<hbm>>
      tpu.wait_indirect_dma semaphore(%arg7 : memref<!tpu.dma_semaphore, #tpu.memory_space<semaphore_mem>>) src(%dma_wait3A_210 : memref<1000000x64xf32, #tpu.memory_space<hbm>>) dst(%dma_wait3A_204 : memref<72x64xf32, #tpu.memory_space<vmem>>)
      %dma_wait3A_211 = arith.constant 0 : i32
      %dma_wait3A_212 = arith.constant 2 : i32
      %dma_wait3A_213 = arith.constant 0 : i32
      %dma_wait3A_214 = arith.constant 2 : i32
      %dma_wait3A_215 = arith.constant 0 : i32
      %dma_wait3A_216 = arith.constant 0 : i32
      %dma_wait3A_217 = tpu.memref_slice %arg6[%dma_wait3A_213, %dma_wait3A_214, %dma_wait3A_215, %dma_wait3A_216] : memref<2x4x200x64xf32, #tpu.memory_space<vmem>> -> memref<1x1x128x64xf32, #tpu.memory_space<vmem>>
      %dma_wait3A_218 = tpu.memref_squeeze %dma_wait3A_217 : memref<1x1x128x64xf32, #tpu.memory_space<vmem>> -> memref<128x64xf32, #tpu.memory_space<vmem>>
      %dma_wait3A_219 = arith.constant 0 : i32
      %dma_wait3A_220 = tpu.memref_slice %arg5[%dma_wait3A_211, %dma_wait3A_212, %dma_wait3A_219] : memref<2x4x200xi32, #tpu.memory_space<vmem>> -> memref<1x1x128xi32, #tpu.memory_space<vmem>>
      %dma_wait3A_221 = tpu.memref_squeeze %dma_wait3A_220 : memref<1x1x128xi32, #tpu.memory_space<vmem>> -> memref<128xi32, #tpu.memory_space<vmem>>
      %dma_wait3A_222 = arith.constant 0 : i32
      %dma_wait3A_223 = arith.constant 0 : i32
      %dma_wait3A_224 = tpu.memref_slice %arg2[%dma_wait3A_222, %dma_wait3A_223] : memref<1000000x64xf32, #tpu.memory_space<hbm>> -> memref<1000000x64xf32, #tpu.memory_space<hbm>>
      tpu.wait_indirect_dma semaphore(%arg7 : memref<!tpu.dma_semaphore, #tpu.memory_space<semaphore_mem>>) src(%dma_wait3A_224 : memref<1000000x64xf32, #tpu.memory_space<hbm>>) dst(%dma_wait3A_218 : memref<128x64xf32, #tpu.memory_space<vmem>>)
      %dma_wait3A_225 = arith.constant 0 : i32
      %dma_wait3A_226 = arith.constant 2 : i32
      %dma_wait3A_227 = arith.constant 0 : i32
      %dma_wait3A_228 = arith.constant 2 : i32
      %dma_wait3A_229 = arith.constant 128 : i32
      %dma_wait3A_230 = arith.constant 0 : i32
      %dma_wait3A_231 = tpu.memref_slice %arg6[%dma_wait3A_227, %dma_wait3A_228, %dma_wait3A_229, %dma_wait3A_230] : memref<2x4x200x64xf32, #tpu.memory_space<vmem>> -> memref<1x1x72x64xf32, #tpu.memory_space<vmem>>
      %dma_wait3A_232 = tpu.memref_squeeze %dma_wait3A_231 : memref<1x1x72x64xf32, #tpu.memory_space<vmem>> -> memref<72x64xf32, #tpu.memory_space<vmem>>
      %dma_wait3A_233 = arith.constant 128 : i32
      %dma_wait3A_234 = tpu.memref_slice %arg5[%dma_wait3A_225, %dma_wait3A_226, %dma_wait3A_233] : memref<2x4x200xi32, #tpu.memory_space<vmem>> -> memref<1x1x72xi32, #tpu.memory_space<vmem>>
      %dma_wait3A_235 = tpu.memref_squeeze %dma_wait3A_234 : memref<1x1x72xi32, #tpu.memory_space<vmem>> -> memref<72xi32, #tpu.memory_space<vmem>>
      %dma_wait3A_236 = arith.constant 0 : i32
      %dma_wait3A_237 = arith.constant 0 : i32
      %dma_wait3A_238 = tpu.memref_slice %arg2[%dma_wait3A_236, %dma_wait3A_237] : memref<1000000x64xf32, #tpu.memory_space<hbm>> -> memref<1000000x64xf32, #tpu.memory_space<hbm>>
      tpu.wait_indirect_dma semaphore(%arg7 : memref<!tpu.dma_semaphore, #tpu.memory_space<semaphore_mem>>) src(%dma_wait3A_238 : memref<1000000x64xf32, #tpu.memory_space<hbm>>) dst(%dma_wait3A_232 : memref<72x64xf32, #tpu.memory_space<vmem>>)
      %dma_wait3A_239 = arith.constant 0 : i32
      %dma_wait3A_240 = arith.constant 3 : i32
      %dma_wait3A_241 = arith.constant 0 : i32
      %dma_wait3A_242 = arith.constant 3 : i32
      %dma_wait3A_243 = arith.constant 0 : i32
      %dma_wait3A_244 = arith.constant 0 : i32
      %dma_wait3A_245 = tpu.memref_slice %arg6[%dma_wait3A_241, %dma_wait3A_242, %dma_wait3A_243, %dma_wait3A_244] : memref<2x4x200x64xf32, #tpu.memory_space<vmem>> -> memref<1x1x128x64xf32, #tpu.memory_space<vmem>>
      %dma_wait3A_246 = tpu.memref_squeeze %dma_wait3A_245 : memref<1x1x128x64xf32, #tpu.memory_space<vmem>> -> memref<128x64xf32, #tpu.memory_space<vmem>>
      %dma_wait3A_247 = arith.constant 0 : i32
      %dma_wait3A_248 = tpu.memref_slice %arg5[%dma_wait3A_239, %dma_wait3A_240, %dma_wait3A_247] : memref<2x4x200xi32, #tpu.memory_space<vmem>> -> memref<1x1x128xi32, #tpu.memory_space<vmem>>
      %dma_wait3A_249 = tpu.memref_squeeze %dma_wait3A_248 : memref<1x1x128xi32, #tpu.memory_space<vmem>> -> memref<128xi32, #tpu.memory_space<vmem>>
      %dma_wait3A_250 = arith.constant 0 : i32
      %dma_wait3A_251 = arith.constant 0 : i32
      %dma_wait3A_252 = tpu.memref_slice %arg2[%dma_wait3A_250, %dma_wait3A_251] : memref<1000000x64xf32, #tpu.memory_space<hbm>> -> memref<1000000x64xf32, #tpu.memory_space<hbm>>
      tpu.wait_indirect_dma semaphore(%arg7 : memref<!tpu.dma_semaphore, #tpu.memory_space<semaphore_mem>>) src(%dma_wait3A_252 : memref<1000000x64xf32, #tpu.memory_space<hbm>>) dst(%dma_wait3A_246 : memref<128x64xf32, #tpu.memory_space<vmem>>)
      %dma_wait3A_253 = arith.constant 0 : i32
      %dma_wait3A_254 = arith.constant 3 : i32
      %dma_wait3A_255 = arith.constant 0 : i32
      %dma_wait3A_256 = arith.constant 3 : i32
      %dma_wait3A_257 = arith.constant 128 : i32
      %dma_wait3A_258 = arith.constant 0 : i32
      %dma_wait3A_259 = tpu.memref_slice %arg6[%dma_wait3A_255, %dma_wait3A_256, %dma_wait3A_257, %dma_wait3A_258] : memref<2x4x200x64xf32, #tpu.memory_space<vmem>> -> memref<1x1x72x64xf32, #tpu.memory_space<vmem>>
      %dma_wait3A_260 = tpu.memref_squeeze %dma_wait3A_259 : memref<1x1x72x64xf32, #tpu.memory_space<vmem>> -> memref<72x64xf32, #tpu.memory_space<vmem>>
      %dma_wait3A_261 = arith.constant 128 : i32
      %dma_wait3A_262 = tpu.memref_slice %arg5[%dma_wait3A_253, %dma_wait3A_254, %dma_wait3A_261] : memref<2x4x200xi32, #tpu.memory_space<vmem>> -> memref<1x1x72xi32, #tpu.memory_space<vmem>>
      %dma_wait3A_263 = tpu.memref_squeeze %dma_wait3A_262 : memref<1x1x72xi32, #tpu.memory_space<vmem>> -> memref<72xi32, #tpu.memory_space<vmem>>
      %dma_wait3A_264 = arith.constant 0 : i32
      %dma_wait3A_265 = arith.constant 0 : i32
      %dma_wait3A_266 = tpu.memref_slice %arg2[%dma_wait3A_264, %dma_wait3A_265] : memref<1000000x64xf32, #tpu.memory_space<hbm>> -> memref<1000000x64xf32, #tpu.memory_space<hbm>>
      tpu.wait_indirect_dma semaphore(%arg7 : memref<!tpu.dma_semaphore, #tpu.memory_space<semaphore_mem>>) src(%dma_wait3A_266 : memref<1000000x64xf32, #tpu.memory_space<hbm>>) dst(%dma_wait3A_260 : memref<72x64xf32, #tpu.memory_space<vmem>>)
      %dma_start3A_267 = arith.constant 0 : i32
      %dma_start3A_268 = arith.constant 0 : i32
      %dma_start3A_269 = arith.constant 0 : i32
      %dma_start3A_270 = arith.constant 0 : i32
      %dma_start3A_271 = tpu.memref_slice %arg6[%dma_start3A_267, %dma_start3A_268, %dma_start3A_269, %dma_start3A_270] : memref<2x4x200x64xf32, #tpu.memory_space<vmem>> -> memref<1x4x200x64xf32, #tpu.memory_space<vmem>>
      %dma_start3A_272 = tpu.memref_squeeze %dma_start3A_271 : memref<1x4x200x64xf32, #tpu.memory_space<vmem>> -> memref<4x200x64xf32, #tpu.memory_space<vmem>>
      %dma_start3A_273 = arith.constant 0 : i32
      %dma_start3A_274 = arith.constant 0 : i32
      %dma_start3A_275 = tpu.memref_slice %arg4[%add3A_146, %dma_start3A_273, %dma_start3A_274] : memref<16384x200x128xf32, #tpu.memory_space<hbm>> -> memref<4x200x64xf32, #tpu.memory_space<hbm>>
      %dma_start3A_276 = arith.constant 0 : i32
      %dma_start3A_277 = arith.constant 0 : i32
      %dma_start3A_278 = tpu.memref_slice %arg4[%add3A_146, %dma_start3A_276, %dma_start3A_277] : memref<16384x200x128xf32, #tpu.memory_space<hbm>> -> memref<4x200x64xf32, #tpu.memory_space<hbm>>
      %dma_start3A_279 = arith.constant 0 : i32
      %dma_start3A_280 = arith.constant 0 : i32
      %dma_start3A_281 = arith.constant 0 : i32
      %dma_start3A_282 = tpu.memref_slice %arg6[%dma_start3A_267, %dma_start3A_279, %dma_start3A_280, %dma_start3A_281] : memref<2x4x200x64xf32, #tpu.memory_space<vmem>> -> memref<1x4x200x64xf32, #tpu.memory_space<vmem>>
      %dma_start3A_283 = tpu.memref_squeeze %dma_start3A_282 : memref<1x4x200x64xf32, #tpu.memory_space<vmem>> -> memref<4x200x64xf32, #tpu.memory_space<vmem>>
      tpu.enqueue_dma source(%dma_start3A_283 : memref<4x200x64xf32, #tpu.memory_space<vmem>>) target(%dma_start3A_278 : memref<4x200x64xf32, #tpu.memory_space<hbm>>) target_semaphore(%arg8 : memref<!tpu.dma_semaphore, #tpu.memory_space<semaphore_mem>>)
      %add3A_284 = arith.constant 2 : i32
      %add3A_285 = arith.addi %add3A_143, %add3A_284 : i32
      %lt3A_286 = arith.constant 128 : i32
      %lt3A_287 = arith.cmpi slt, %add3A_285, %lt3A_286 : i32
      %convert_element_type3A_288 = arith.extui %lt3A_287 : i1 to i32
      %cond3A_289 = arith.constant 0 : i32
      %cond3A_290 = arith.cmpi ne, %convert_element_type3A_288, %cond3A_289 : i32
      scf.if %cond3A_290 {
        %add3A_444 = arith.constant 8 : i32
        %add3A_445 = arith.addi %add3A_146, %add3A_444 : i32
        %run_scoped3A_446 = arith.constant 0 : i32
        "tpu.region"() ({
          %run_scoped3A_447 = tpu.sem_alloc : memref<!tpu.dma_semaphore, #tpu.memory_space<semaphore_mem>>
          %dma_start3A_448 = arith.constant 0 : i32
          %dma_start3A_449 = arith.constant 0 : i32
          %dma_start3A_450 = tpu.memref_slice %arg5[%run_scoped3A_446, %dma_start3A_448, %dma_start3A_449] : memref<2x4x200xi32, #tpu.memory_space<vmem>> -> memref<1x4x200xi32, #tpu.memory_space<vmem>>
          %dma_start3A_451 = tpu.memref_squeeze %dma_start3A_450 : memref<1x4x200xi32, #tpu.memory_space<vmem>> -> memref<4x200xi32, #tpu.memory_space<vmem>>
          %dma_start3A_452 = arith.constant 0 : i32
          %dma_start3A_453 = tpu.memref_slice %arg3[%add3A_445, %dma_start3A_452] : memref<16384x200xi32, #tpu.memory_space<hbm>> -> memref<4x200xi32, #tpu.memory_space<hbm>>
          %dma_start3A_454 = arith.constant 0 : i32
          %dma_start3A_455 = arith.constant 0 : i32
          %dma_start3A_456 = tpu.memref_slice %arg5[%run_scoped3A_446, %dma_start3A_454, %dma_start3A_455] : memref<2x4x200xi32, #tpu.memory_space<vmem>> -> memref<1x4x200xi32, #tpu.memory_space<vmem>>
          %dma_start3A_457 = tpu.memref_squeeze %dma_start3A_456 : memref<1x4x200xi32, #tpu.memory_space<vmem>> -> memref<4x200xi32, #tpu.memory_space<vmem>>
          %dma_start3A_458 = arith.constant 0 : i32
          %dma_start3A_459 = tpu.memref_slice %arg3[%add3A_445, %dma_start3A_458] : memref<16384x200xi32, #tpu.memory_space<hbm>> -> memref<4x200xi32, #tpu.memory_space<hbm>>
          tpu.enqueue_dma source(%dma_start3A_459 : memref<4x200xi32, #tpu.memory_space<hbm>>) target(%dma_start3A_457 : memref<4x200xi32, #tpu.memory_space<vmem>>) target_semaphore(%run_scoped3A_447 : memref<!tpu.dma_semaphore, #tpu.memory_space<semaphore_mem>>)
          %dma_wait3A_460 = arith.constant 0 : i32
          %dma_wait3A_461 = arith.constant 0 : i32
          %dma_wait3A_462 = tpu.memref_slice %arg5[%run_scoped3A_446, %dma_wait3A_460, %dma_wait3A_461] : memref<2x4x200xi32, #tpu.memory_space<vmem>> -> memref<1x4x200xi32, #tpu.memory_space<vmem>>
          %dma_wait3A_463 = tpu.memref_squeeze %dma_wait3A_462 : memref<1x4x200xi32, #tpu.memory_space<vmem>> -> memref<4x200xi32, #tpu.memory_space<vmem>>
          %dma_wait3A_464 = arith.constant 0 : i32
          %dma_wait3A_465 = tpu.memref_slice %arg3[%add3A_445, %dma_wait3A_464] : memref<16384x200xi32, #tpu.memory_space<hbm>> -> memref<4x200xi32, #tpu.memory_space<hbm>>
          %dma_wait3A_466 = arith.constant 0 : i32
          %dma_wait3A_467 = arith.constant 0 : i32
          %dma_wait3A_468 = tpu.memref_slice %arg5[%run_scoped3A_446, %dma_wait3A_466, %dma_wait3A_467] : memref<2x4x200xi32, #tpu.memory_space<vmem>> -> memref<1x4x200xi32, #tpu.memory_space<vmem>>
          %dma_wait3A_469 = tpu.memref_squeeze %dma_wait3A_468 : memref<1x4x200xi32, #tpu.memory_space<vmem>> -> memref<4x200xi32, #tpu.memory_space<vmem>>
          %dma_wait3A_470 = arith.constant 0 : i32
          %dma_wait3A_471 = tpu.memref_slice %arg3[%add3A_445, %dma_wait3A_470] : memref<16384x200xi32, #tpu.memory_space<hbm>> -> memref<4x200xi32, #tpu.memory_space<hbm>>
          tpu.wait_dma2 semaphore(%run_scoped3A_447 : memref<!tpu.dma_semaphore, #tpu.memory_space<semaphore_mem>>) src(%dma_wait3A_471 : memref<4x200xi32, #tpu.memory_space<hbm>>) dst(%dma_wait3A_469 : memref<4x200xi32, #tpu.memory_space<vmem>>)
          tpu.yield
        }) : () -> ()
      } else {
      }
      %add3A_291 = arith.constant 1 : i32
      %add3A_292 = arith.addi %add3A_141, %add3A_291 : i32
      %mul3A_293 = arith.constant 4 : i32
      %mul3A_294 = arith.muli %add3A_292, %mul3A_293 : i32
      %add3A_295 = arith.addi %mul3A_2, %mul3A_294 : i32
      %ge3A_296 = arith.constant 1 : i32
      %ge3A_297 = arith.cmpi sge, %add3A_292, %ge3A_296 : i32
      %convert_element_type3A_298 = arith.extui %ge3A_297 : i1 to i32
      %cond3A_299 = arith.constant 0 : i32
      %cond3A_300 = arith.cmpi ne, %convert_element_type3A_298, %cond3A_299 : i32
      scf.if %cond3A_300 {
        %sub3A = arith.constant 4 : i32
        %sub3A_444 = arith.subi %add3A_295, %sub3A : i32
        %dma_wait3A_445 = arith.constant 0 : i32
        %dma_wait3A_446 = arith.constant 0 : i32
        %dma_wait3A_447 = arith.constant 0 : i32
        %dma_wait3A_448 = arith.constant 0 : i32
        %dma_wait3A_449 = tpu.memref_slice %arg6[%dma_wait3A_445, %dma_wait3A_446, %dma_wait3A_447, %dma_wait3A_448] : memref<2x4x200x64xf32, #tpu.memory_space<vmem>> -> memref<1x4x200x64xf32, #tpu.memory_space<vmem>>
        %dma_wait3A_450 = tpu.memref_squeeze %dma_wait3A_449 : memref<1x4x200x64xf32, #tpu.memory_space<vmem>> -> memref<4x200x64xf32, #tpu.memory_space<vmem>>
        %dma_wait3A_451 = arith.constant 0 : i32
        %dma_wait3A_452 = arith.constant 0 : i32
        %dma_wait3A_453 = tpu.memref_slice %arg4[%sub3A_444, %dma_wait3A_451, %dma_wait3A_452] : memref<16384x200x128xf32, #tpu.memory_space<hbm>> -> memref<4x200x64xf32, #tpu.memory_space<hbm>>
        %dma_wait3A_454 = arith.constant 0 : i32
        %dma_wait3A_455 = arith.constant 0 : i32
        %dma_wait3A_456 = tpu.memref_slice %arg4[%sub3A_444, %dma_wait3A_454, %dma_wait3A_455] : memref<16384x200x128xf32, #tpu.memory_space<hbm>> -> memref<4x200x64xf32, #tpu.memory_space<hbm>>
        %dma_wait3A_457 = arith.constant 0 : i32
        %dma_wait3A_458 = arith.constant 0 : i32
        %dma_wait3A_459 = arith.constant 0 : i32
        %dma_wait3A_460 = tpu.memref_slice %arg6[%dma_wait3A_445, %dma_wait3A_457, %dma_wait3A_458, %dma_wait3A_459] : memref<2x4x200x64xf32, #tpu.memory_space<vmem>> -> memref<1x4x200x64xf32, #tpu.memory_space<vmem>>
        %dma_wait3A_461 = tpu.memref_squeeze %dma_wait3A_460 : memref<1x4x200x64xf32, #tpu.memory_space<vmem>> -> memref<4x200x64xf32, #tpu.memory_space<vmem>>
        tpu.wait_dma2 semaphore(%arg8 : memref<!tpu.dma_semaphore, #tpu.memory_space<semaphore_mem>>) src(%dma_wait3A_461 : memref<4x200x64xf32, #tpu.memory_space<vmem>>) dst(%dma_wait3A_456 : memref<4x200x64xf32, #tpu.memory_space<hbm>>)
      } else {
      }
      %add3A_301 = arith.constant 1 : i32
      %add3A_302 = arith.addi %add3A_292, %add3A_301 : i32
      %lt3A_303 = arith.constant 128 : i32
      %lt3A_304 = arith.cmpi slt, %add3A_302, %lt3A_303 : i32
      %convert_element_type3A_305 = arith.extui %lt3A_304 : i1 to i32
      %cond3A_306 = arith.constant 0 : i32
      %cond3A_307 = arith.cmpi ne, %convert_element_type3A_305, %cond3A_306 : i32
      scf.if %cond3A_307 {
        %add3A_444 = arith.constant 4 : i32
        %add3A_445 = arith.addi %add3A_295, %add3A_444 : i32
        %dma_start3A_446 = arith.constant 0 : i32
        %dma_start3A_447 = arith.constant 0 : i32
        %dma_start3A_448 = arith.constant 0 : i32
        %dma_start3A_449 = arith.constant 0 : i32
        %dma_start3A_450 = arith.constant 0 : i32
        %dma_start3A_451 = arith.constant 0 : i32
        %dma_start3A_452 = tpu.memref_slice %arg6[%dma_start3A_448, %dma_start3A_449, %dma_start3A_450, %dma_start3A_451] : memref<2x4x200x64xf32, #tpu.memory_space<vmem>> -> memref<1x1x128x64xf32, #tpu.memory_space<vmem>>
        %dma_start3A_453 = tpu.memref_squeeze %dma_start3A_452 : memref<1x1x128x64xf32, #tpu.memory_space<vmem>> -> memref<128x64xf32, #tpu.memory_space<vmem>>
        %dma_start3A_454 = arith.constant 0 : i32
        %dma_start3A_455 = tpu.memref_slice %arg5[%dma_start3A_446, %dma_start3A_447, %dma_start3A_454] : memref<2x4x200xi32, #tpu.memory_space<vmem>> -> memref<1x1x128xi32, #tpu.memory_space<vmem>>
        %dma_start3A_456 = tpu.memref_squeeze %dma_start3A_455 : memref<1x1x128xi32, #tpu.memory_space<vmem>> -> memref<128xi32, #tpu.memory_space<vmem>>
        %dma_start3A_457 = arith.constant 0 : i32
        %dma_start3A_458 = arith.constant 0 : i32
        %dma_start3A_459 = tpu.memref_slice %arg2[%dma_start3A_457, %dma_start3A_458] : memref<1000000x64xf32, #tpu.memory_space<hbm>> -> memref<1000000x64xf32, #tpu.memory_space<hbm>>
        tpu.enqueue_indirect_dma source(%dma_start3A_459 : memref<1000000x64xf32, #tpu.memory_space<hbm>>) target(%dma_start3A_453 : memref<128x64xf32, #tpu.memory_space<vmem>>) offsets(%dma_start3A_456 : memref<128xi32, #tpu.memory_space<vmem>>) semaphore(%arg7 : memref<!tpu.dma_semaphore, #tpu.memory_space<semaphore_mem>>)
        %dma_start3A_460 = arith.constant 0 : i32
        %dma_start3A_461 = arith.constant 0 : i32
        %dma_start3A_462 = arith.constant 0 : i32
        %dma_start3A_463 = arith.constant 0 : i32
        %dma_start3A_464 = arith.constant 128 : i32
        %dma_start3A_465 = arith.constant 0 : i32
        %dma_start3A_466 = tpu.memref_slice %arg6[%dma_start3A_462, %dma_start3A_463, %dma_start3A_464, %dma_start3A_465] : memref<2x4x200x64xf32, #tpu.memory_space<vmem>> -> memref<1x1x72x64xf32, #tpu.memory_space<vmem>>
        %dma_start3A_467 = tpu.memref_squeeze %dma_start3A_466 : memref<1x1x72x64xf32, #tpu.memory_space<vmem>> -> memref<72x64xf32, #tpu.memory_space<vmem>>
        %dma_start3A_468 = arith.constant 128 : i32
        %dma_start3A_469 = tpu.memref_slice %arg5[%dma_start3A_460, %dma_start3A_461, %dma_start3A_468] : memref<2x4x200xi32, #tpu.memory_space<vmem>> -> memref<1x1x72xi32, #tpu.memory_space<vmem>>
        %dma_start3A_470 = tpu.memref_squeeze %dma_start3A_469 : memref<1x1x72xi32, #tpu.memory_space<vmem>> -> memref<72xi32, #tpu.memory_space<vmem>>
        %dma_start3A_471 = arith.constant 0 : i32
        %dma_start3A_472 = arith.constant 0 : i32
        %dma_start3A_473 = tpu.memref_slice %arg2[%dma_start3A_471, %dma_start3A_472] : memref<1000000x64xf32, #tpu.memory_space<hbm>> -> memref<1000000x64xf32, #tpu.memory_space<hbm>>
        tpu.enqueue_indirect_dma source(%dma_start3A_473 : memref<1000000x64xf32, #tpu.memory_space<hbm>>) target(%dma_start3A_467 : memref<72x64xf32, #tpu.memory_space<vmem>>) offsets(%dma_start3A_470 : memref<72xi32, #tpu.memory_space<vmem>>) semaphore(%arg7 : memref<!tpu.dma_semaphore, #tpu.memory_space<semaphore_mem>>)
        %dma_start3A_474 = arith.constant 0 : i32
        %dma_start3A_475 = arith.constant 1 : i32
        %dma_start3A_476 = arith.constant 0 : i32
        %dma_start3A_477 = arith.constant 1 : i32
        %dma_start3A_478 = arith.constant 0 : i32
        %dma_start3A_479 = arith.constant 0 : i32
        %dma_start3A_480 = tpu.memref_slice %arg6[%dma_start3A_476, %dma_start3A_477, %dma_start3A_478, %dma_start3A_479] : memref<2x4x200x64xf32, #tpu.memory_space<vmem>> -> memref<1x1x128x64xf32, #tpu.memory_space<vmem>>
        %dma_start3A_481 = tpu.memref_squeeze %dma_start3A_480 : memref<1x1x128x64xf32, #tpu.memory_space<vmem>> -> memref<128x64xf32, #tpu.memory_space<vmem>>
        %dma_start3A_482 = arith.constant 0 : i32
        %dma_start3A_483 = tpu.memref_slice %arg5[%dma_start3A_474, %dma_start3A_475, %dma_start3A_482] : memref<2x4x200xi32, #tpu.memory_space<vmem>> -> memref<1x1x128xi32, #tpu.memory_space<vmem>>
        %dma_start3A_484 = tpu.memref_squeeze %dma_start3A_483 : memref<1x1x128xi32, #tpu.memory_space<vmem>> -> memref<128xi32, #tpu.memory_space<vmem>>
        %dma_start3A_485 = arith.constant 0 : i32
        %dma_start3A_486 = arith.constant 0 : i32
        %dma_start3A_487 = tpu.memref_slice %arg2[%dma_start3A_485, %dma_start3A_486] : memref<1000000x64xf32, #tpu.memory_space<hbm>> -> memref<1000000x64xf32, #tpu.memory_space<hbm>>
        tpu.enqueue_indirect_dma source(%dma_start3A_487 : memref<1000000x64xf32, #tpu.memory_space<hbm>>) target(%dma_start3A_481 : memref<128x64xf32, #tpu.memory_space<vmem>>) offsets(%dma_start3A_484 : memref<128xi32, #tpu.memory_space<vmem>>) semaphore(%arg7 : memref<!tpu.dma_semaphore, #tpu.memory_space<semaphore_mem>>)
        %dma_start3A_488 = arith.constant 0 : i32
        %dma_start3A_489 = arith.constant 1 : i32
        %dma_start3A_490 = arith.constant 0 : i32
        %dma_start3A_491 = arith.constant 1 : i32
        %dma_start3A_492 = arith.constant 128 : i32
        %dma_start3A_493 = arith.constant 0 : i32
        %dma_start3A_494 = tpu.memref_slice %arg6[%dma_start3A_490, %dma_start3A_491, %dma_start3A_492, %dma_start3A_493] : memref<2x4x200x64xf32, #tpu.memory_space<vmem>> -> memref<1x1x72x64xf32, #tpu.memory_space<vmem>>
        %dma_start3A_495 = tpu.memref_squeeze %dma_start3A_494 : memref<1x1x72x64xf32, #tpu.memory_space<vmem>> -> memref<72x64xf32, #tpu.memory_space<vmem>>
        %dma_start3A_496 = arith.constant 128 : i32
        %dma_start3A_497 = tpu.memref_slice %arg5[%dma_start3A_488, %dma_start3A_489, %dma_start3A_496] : memref<2x4x200xi32, #tpu.memory_space<vmem>> -> memref<1x1x72xi32, #tpu.memory_space<vmem>>
        %dma_start3A_498 = tpu.memref_squeeze %dma_start3A_497 : memref<1x1x72xi32, #tpu.memory_space<vmem>> -> memref<72xi32, #tpu.memory_space<vmem>>
        %dma_start3A_499 = arith.constant 0 : i32
        %dma_start3A_500 = arith.constant 0 : i32
        %dma_start3A_501 = tpu.memref_slice %arg2[%dma_start3A_499, %dma_start3A_500] : memref<1000000x64xf32, #tpu.memory_space<hbm>> -> memref<1000000x64xf32, #tpu.memory_space<hbm>>
        tpu.enqueue_indirect_dma source(%dma_start3A_501 : memref<1000000x64xf32, #tpu.memory_space<hbm>>) target(%dma_start3A_495 : memref<72x64xf32, #tpu.memory_space<vmem>>) offsets(%dma_start3A_498 : memref<72xi32, #tpu.memory_space<vmem>>) semaphore(%arg7 : memref<!tpu.dma_semaphore, #tpu.memory_space<semaphore_mem>>)
        %dma_start3A_502 = arith.constant 0 : i32
        %dma_start3A_503 = arith.constant 2 : i32
        %dma_start3A_504 = arith.constant 0 : i32
        %dma_start3A_505 = arith.constant 2 : i32
        %dma_start3A_506 = arith.constant 0 : i32
        %dma_start3A_507 = arith.constant 0 : i32
        %dma_start3A_508 = tpu.memref_slice %arg6[%dma_start3A_504, %dma_start3A_505, %dma_start3A_506, %dma_start3A_507] : memref<2x4x200x64xf32, #tpu.memory_space<vmem>> -> memref<1x1x128x64xf32, #tpu.memory_space<vmem>>
        %dma_start3A_509 = tpu.memref_squeeze %dma_start3A_508 : memref<1x1x128x64xf32, #tpu.memory_space<vmem>> -> memref<128x64xf32, #tpu.memory_space<vmem>>
        %dma_start3A_510 = arith.constant 0 : i32
        %dma_start3A_511 = tpu.memref_slice %arg5[%dma_start3A_502, %dma_start3A_503, %dma_start3A_510] : memref<2x4x200xi32, #tpu.memory_space<vmem>> -> memref<1x1x128xi32, #tpu.memory_space<vmem>>
        %dma_start3A_512 = tpu.memref_squeeze %dma_start3A_511 : memref<1x1x128xi32, #tpu.memory_space<vmem>> -> memref<128xi32, #tpu.memory_space<vmem>>
        %dma_start3A_513 = arith.constant 0 : i32
        %dma_start3A_514 = arith.constant 0 : i32
        %dma_start3A_515 = tpu.memref_slice %arg2[%dma_start3A_513, %dma_start3A_514] : memref<1000000x64xf32, #tpu.memory_space<hbm>> -> memref<1000000x64xf32, #tpu.memory_space<hbm>>
        tpu.enqueue_indirect_dma source(%dma_start3A_515 : memref<1000000x64xf32, #tpu.memory_space<hbm>>) target(%dma_start3A_509 : memref<128x64xf32, #tpu.memory_space<vmem>>) offsets(%dma_start3A_512 : memref<128xi32, #tpu.memory_space<vmem>>) semaphore(%arg7 : memref<!tpu.dma_semaphore, #tpu.memory_space<semaphore_mem>>)
        %dma_start3A_516 = arith.constant 0 : i32
        %dma_start3A_517 = arith.constant 2 : i32
        %dma_start3A_518 = arith.constant 0 : i32
        %dma_start3A_519 = arith.constant 2 : i32
        %dma_start3A_520 = arith.constant 128 : i32
        %dma_start3A_521 = arith.constant 0 : i32
        %dma_start3A_522 = tpu.memref_slice %arg6[%dma_start3A_518, %dma_start3A_519, %dma_start3A_520, %dma_start3A_521] : memref<2x4x200x64xf32, #tpu.memory_space<vmem>> -> memref<1x1x72x64xf32, #tpu.memory_space<vmem>>
        %dma_start3A_523 = tpu.memref_squeeze %dma_start3A_522 : memref<1x1x72x64xf32, #tpu.memory_space<vmem>> -> memref<72x64xf32, #tpu.memory_space<vmem>>
        %dma_start3A_524 = arith.constant 128 : i32
        %dma_start3A_525 = tpu.memref_slice %arg5[%dma_start3A_516, %dma_start3A_517, %dma_start3A_524] : memref<2x4x200xi32, #tpu.memory_space<vmem>> -> memref<1x1x72xi32, #tpu.memory_space<vmem>>
        %dma_start3A_526 = tpu.memref_squeeze %dma_start3A_525 : memref<1x1x72xi32, #tpu.memory_space<vmem>> -> memref<72xi32, #tpu.memory_space<vmem>>
        %dma_start3A_527 = arith.constant 0 : i32
        %dma_start3A_528 = arith.constant 0 : i32
        %dma_start3A_529 = tpu.memref_slice %arg2[%dma_start3A_527, %dma_start3A_528] : memref<1000000x64xf32, #tpu.memory_space<hbm>> -> memref<1000000x64xf32, #tpu.memory_space<hbm>>
        tpu.enqueue_indirect_dma source(%dma_start3A_529 : memref<1000000x64xf32, #tpu.memory_space<hbm>>) target(%dma_start3A_523 : memref<72x64xf32, #tpu.memory_space<vmem>>) offsets(%dma_start3A_526 : memref<72xi32, #tpu.memory_space<vmem>>) semaphore(%arg7 : memref<!tpu.dma_semaphore, #tpu.memory_space<semaphore_mem>>)
        %dma_start3A_530 = arith.constant 0 : i32
        %dma_start3A_531 = arith.constant 3 : i32
        %dma_start3A_532 = arith.constant 0 : i32
        %dma_start3A_533 = arith.constant 3 : i32
        %dma_start3A_534 = arith.constant 0 : i32
        %dma_start3A_535 = arith.constant 0 : i32
        %dma_start3A_536 = tpu.memref_slice %arg6[%dma_start3A_532, %dma_start3A_533, %dma_start3A_534, %dma_start3A_535] : memref<2x4x200x64xf32, #tpu.memory_space<vmem>> -> memref<1x1x128x64xf32, #tpu.memory_space<vmem>>
        %dma_start3A_537 = tpu.memref_squeeze %dma_start3A_536 : memref<1x1x128x64xf32, #tpu.memory_space<vmem>> -> memref<128x64xf32, #tpu.memory_space<vmem>>
        %dma_start3A_538 = arith.constant 0 : i32
        %dma_start3A_539 = tpu.memref_slice %arg5[%dma_start3A_530, %dma_start3A_531, %dma_start3A_538] : memref<2x4x200xi32, #tpu.memory_space<vmem>> -> memref<1x1x128xi32, #tpu.memory_space<vmem>>
        %dma_start3A_540 = tpu.memref_squeeze %dma_start3A_539 : memref<1x1x128xi32, #tpu.memory_space<vmem>> -> memref<128xi32, #tpu.memory_space<vmem>>
        %dma_start3A_541 = arith.constant 0 : i32
        %dma_start3A_542 = arith.constant 0 : i32
        %dma_start3A_543 = tpu.memref_slice %arg2[%dma_start3A_541, %dma_start3A_542] : memref<1000000x64xf32, #tpu.memory_space<hbm>> -> memref<1000000x64xf32, #tpu.memory_space<hbm>>
        tpu.enqueue_indirect_dma source(%dma_start3A_543 : memref<1000000x64xf32, #tpu.memory_space<hbm>>) target(%dma_start3A_537 : memref<128x64xf32, #tpu.memory_space<vmem>>) offsets(%dma_start3A_540 : memref<128xi32, #tpu.memory_space<vmem>>) semaphore(%arg7 : memref<!tpu.dma_semaphore, #tpu.memory_space<semaphore_mem>>)
        %dma_start3A_544 = arith.constant 0 : i32
        %dma_start3A_545 = arith.constant 3 : i32
        %dma_start3A_546 = arith.constant 0 : i32
        %dma_start3A_547 = arith.constant 3 : i32
        %dma_start3A_548 = arith.constant 128 : i32
        %dma_start3A_549 = arith.constant 0 : i32
        %dma_start3A_550 = tpu.memref_slice %arg6[%dma_start3A_546, %dma_start3A_547, %dma_start3A_548, %dma_start3A_549] : memref<2x4x200x64xf32, #tpu.memory_space<vmem>> -> memref<1x1x72x64xf32, #tpu.memory_space<vmem>>
        %dma_start3A_551 = tpu.memref_squeeze %dma_start3A_550 : memref<1x1x72x64xf32, #tpu.memory_space<vmem>> -> memref<72x64xf32, #tpu.memory_space<vmem>>
        %dma_start3A_552 = arith.constant 128 : i32
        %dma_start3A_553 = tpu.memref_slice %arg5[%dma_start3A_544, %dma_start3A_545, %dma_start3A_552] : memref<2x4x200xi32, #tpu.memory_space<vmem>> -> memref<1x1x72xi32, #tpu.memory_space<vmem>>
        %dma_start3A_554 = tpu.memref_squeeze %dma_start3A_553 : memref<1x1x72xi32, #tpu.memory_space<vmem>> -> memref<72xi32, #tpu.memory_space<vmem>>
        %dma_start3A_555 = arith.constant 0 : i32
        %dma_start3A_556 = arith.constant 0 : i32
        %dma_start3A_557 = tpu.memref_slice %arg2[%dma_start3A_555, %dma_start3A_556] : memref<1000000x64xf32, #tpu.memory_space<hbm>> -> memref<1000000x64xf32, #tpu.memory_space<hbm>>
        tpu.enqueue_indirect_dma source(%dma_start3A_557 : memref<1000000x64xf32, #tpu.memory_space<hbm>>) target(%dma_start3A_551 : memref<72x64xf32, #tpu.memory_space<vmem>>) offsets(%dma_start3A_554 : memref<72xi32, #tpu.memory_space<vmem>>) semaphore(%arg7 : memref<!tpu.dma_semaphore, #tpu.memory_space<semaphore_mem>>)
      } else {
      }
      %dma_wait3A_308 = arith.constant 1 : i32
      %dma_wait3A_309 = arith.constant 0 : i32
      %dma_wait3A_310 = arith.constant 1 : i32
      %dma_wait3A_311 = arith.constant 0 : i32
      %dma_wait3A_312 = arith.constant 0 : i32
      %dma_wait3A_313 = arith.constant 0 : i32
      %dma_wait3A_314 = tpu.memref_slice %arg6[%dma_wait3A_310, %dma_wait3A_311, %dma_wait3A_312, %dma_wait3A_313] : memref<2x4x200x64xf32, #tpu.memory_space<vmem>> -> memref<1x1x128x64xf32, #tpu.memory_space<vmem>>
      %dma_wait3A_315 = tpu.memref_squeeze %dma_wait3A_314 : memref<1x1x128x64xf32, #tpu.memory_space<vmem>> -> memref<128x64xf32, #tpu.memory_space<vmem>>
      %dma_wait3A_316 = arith.constant 0 : i32
      %dma_wait3A_317 = tpu.memref_slice %arg5[%dma_wait3A_308, %dma_wait3A_309, %dma_wait3A_316] : memref<2x4x200xi32, #tpu.memory_space<vmem>> -> memref<1x1x128xi32, #tpu.memory_space<vmem>>
      %dma_wait3A_318 = tpu.memref_squeeze %dma_wait3A_317 : memref<1x1x128xi32, #tpu.memory_space<vmem>> -> memref<128xi32, #tpu.memory_space<vmem>>
      %dma_wait3A_319 = arith.constant 0 : i32
      %dma_wait3A_320 = arith.constant 0 : i32
      %dma_wait3A_321 = tpu.memref_slice %arg2[%dma_wait3A_319, %dma_wait3A_320] : memref<1000000x64xf32, #tpu.memory_space<hbm>> -> memref<1000000x64xf32, #tpu.memory_space<hbm>>
      tpu.wait_indirect_dma semaphore(%arg7 : memref<!tpu.dma_semaphore, #tpu.memory_space<semaphore_mem>>) src(%dma_wait3A_321 : memref<1000000x64xf32, #tpu.memory_space<hbm>>) dst(%dma_wait3A_315 : memref<128x64xf32, #tpu.memory_space<vmem>>)
      %dma_wait3A_322 = arith.constant 1 : i32
      %dma_wait3A_323 = arith.constant 0 : i32
      %dma_wait3A_324 = arith.constant 1 : i32
      %dma_wait3A_325 = arith.constant 0 : i32
      %dma_wait3A_326 = arith.constant 128 : i32
      %dma_wait3A_327 = arith.constant 0 : i32
      %dma_wait3A_328 = tpu.memref_slice %arg6[%dma_wait3A_324, %dma_wait3A_325, %dma_wait3A_326, %dma_wait3A_327] : memref<2x4x200x64xf32, #tpu.memory_space<vmem>> -> memref<1x1x72x64xf32, #tpu.memory_space<vmem>>
      %dma_wait3A_329 = tpu.memref_squeeze %dma_wait3A_328 : memref<1x1x72x64xf32, #tpu.memory_space<vmem>> -> memref<72x64xf32, #tpu.memory_space<vmem>>
      %dma_wait3A_330 = arith.constant 128 : i32
      %dma_wait3A_331 = tpu.memref_slice %arg5[%dma_wait3A_322, %dma_wait3A_323, %dma_wait3A_330] : memref<2x4x200xi32, #tpu.memory_space<vmem>> -> memref<1x1x72xi32, #tpu.memory_space<vmem>>
      %dma_wait3A_332 = tpu.memref_squeeze %dma_wait3A_331 : memref<1x1x72xi32, #tpu.memory_space<vmem>> -> memref<72xi32, #tpu.memory_space<vmem>>
      %dma_wait3A_333 = arith.constant 0 : i32
      %dma_wait3A_334 = arith.constant 0 : i32
      %dma_wait3A_335 = tpu.memref_slice %arg2[%dma_wait3A_333, %dma_wait3A_334] : memref<1000000x64xf32, #tpu.memory_space<hbm>> -> memref<1000000x64xf32, #tpu.memory_space<hbm>>
      tpu.wait_indirect_dma semaphore(%arg7 : memref<!tpu.dma_semaphore, #tpu.memory_space<semaphore_mem>>) src(%dma_wait3A_335 : memref<1000000x64xf32, #tpu.memory_space<hbm>>) dst(%dma_wait3A_329 : memref<72x64xf32, #tpu.memory_space<vmem>>)
      %dma_wait3A_336 = arith.constant 1 : i32
      %dma_wait3A_337 = arith.constant 1 : i32
      %dma_wait3A_338 = arith.constant 1 : i32
      %dma_wait3A_339 = arith.constant 1 : i32
      %dma_wait3A_340 = arith.constant 0 : i32
      %dma_wait3A_341 = arith.constant 0 : i32
      %dma_wait3A_342 = tpu.memref_slice %arg6[%dma_wait3A_338, %dma_wait3A_339, %dma_wait3A_340, %dma_wait3A_341] : memref<2x4x200x64xf32, #tpu.memory_space<vmem>> -> memref<1x1x128x64xf32, #tpu.memory_space<vmem>>
      %dma_wait3A_343 = tpu.memref_squeeze %dma_wait3A_342 : memref<1x1x128x64xf32, #tpu.memory_space<vmem>> -> memref<128x64xf32, #tpu.memory_space<vmem>>
      %dma_wait3A_344 = arith.constant 0 : i32
      %dma_wait3A_345 = tpu.memref_slice %arg5[%dma_wait3A_336, %dma_wait3A_337, %dma_wait3A_344] : memref<2x4x200xi32, #tpu.memory_space<vmem>> -> memref<1x1x128xi32, #tpu.memory_space<vmem>>
      %dma_wait3A_346 = tpu.memref_squeeze %dma_wait3A_345 : memref<1x1x128xi32, #tpu.memory_space<vmem>> -> memref<128xi32, #tpu.memory_space<vmem>>
      %dma_wait3A_347 = arith.constant 0 : i32
      %dma_wait3A_348 = arith.constant 0 : i32
      %dma_wait3A_349 = tpu.memref_slice %arg2[%dma_wait3A_347, %dma_wait3A_348] : memref<1000000x64xf32, #tpu.memory_space<hbm>> -> memref<1000000x64xf32, #tpu.memory_space<hbm>>
      tpu.wait_indirect_dma semaphore(%arg7 : memref<!tpu.dma_semaphore, #tpu.memory_space<semaphore_mem>>) src(%dma_wait3A_349 : memref<1000000x64xf32, #tpu.memory_space<hbm>>) dst(%dma_wait3A_343 : memref<128x64xf32, #tpu.memory_space<vmem>>)
      %dma_wait3A_350 = arith.constant 1 : i32
      %dma_wait3A_351 = arith.constant 1 : i32
      %dma_wait3A_352 = arith.constant 1 : i32
      %dma_wait3A_353 = arith.constant 1 : i32
      %dma_wait3A_354 = arith.constant 128 : i32
      %dma_wait3A_355 = arith.constant 0 : i32
      %dma_wait3A_356 = tpu.memref_slice %arg6[%dma_wait3A_352, %dma_wait3A_353, %dma_wait3A_354, %dma_wait3A_355] : memref<2x4x200x64xf32, #tpu.memory_space<vmem>> -> memref<1x1x72x64xf32, #tpu.memory_space<vmem>>
      %dma_wait3A_357 = tpu.memref_squeeze %dma_wait3A_356 : memref<1x1x72x64xf32, #tpu.memory_space<vmem>> -> memref<72x64xf32, #tpu.memory_space<vmem>>
      %dma_wait3A_358 = arith.constant 128 : i32
      %dma_wait3A_359 = tpu.memref_slice %arg5[%dma_wait3A_350, %dma_wait3A_351, %dma_wait3A_358] : memref<2x4x200xi32, #tpu.memory_space<vmem>> -> memref<1x1x72xi32, #tpu.memory_space<vmem>>
      %dma_wait3A_360 = tpu.memref_squeeze %dma_wait3A_359 : memref<1x1x72xi32, #tpu.memory_space<vmem>> -> memref<72xi32, #tpu.memory_space<vmem>>
      %dma_wait3A_361 = arith.constant 0 : i32
      %dma_wait3A_362 = arith.constant 0 : i32
      %dma_wait3A_363 = tpu.memref_slice %arg2[%dma_wait3A_361, %dma_wait3A_362] : memref<1000000x64xf32, #tpu.memory_space<hbm>> -> memref<1000000x64xf32, #tpu.memory_space<hbm>>
      tpu.wait_indirect_dma semaphore(%arg7 : memref<!tpu.dma_semaphore, #tpu.memory_space<semaphore_mem>>) src(%dma_wait3A_363 : memref<1000000x64xf32, #tpu.memory_space<hbm>>) dst(%dma_wait3A_357 : memref<72x64xf32, #tpu.memory_space<vmem>>)
      %dma_wait3A_364 = arith.constant 1 : i32
      %dma_wait3A_365 = arith.constant 2 : i32
      %dma_wait3A_366 = arith.constant 1 : i32
      %dma_wait3A_367 = arith.constant 2 : i32
      %dma_wait3A_368 = arith.constant 0 : i32
      %dma_wait3A_369 = arith.constant 0 : i32
      %dma_wait3A_370 = tpu.memref_slice %arg6[%dma_wait3A_366, %dma_wait3A_367, %dma_wait3A_368, %dma_wait3A_369] : memref<2x4x200x64xf32, #tpu.memory_space<vmem>> -> memref<1x1x128x64xf32, #tpu.memory_space<vmem>>
      %dma_wait3A_371 = tpu.memref_squeeze %dma_wait3A_370 : memref<1x1x128x64xf32, #tpu.memory_space<vmem>> -> memref<128x64xf32, #tpu.memory_space<vmem>>
      %dma_wait3A_372 = arith.constant 0 : i32
      %dma_wait3A_373 = tpu.memref_slice %arg5[%dma_wait3A_364, %dma_wait3A_365, %dma_wait3A_372] : memref<2x4x200xi32, #tpu.memory_space<vmem>> -> memref<1x1x128xi32, #tpu.memory_space<vmem>>
      %dma_wait3A_374 = tpu.memref_squeeze %dma_wait3A_373 : memref<1x1x128xi32, #tpu.memory_space<vmem>> -> memref<128xi32, #tpu.memory_space<vmem>>
      %dma_wait3A_375 = arith.constant 0 : i32
      %dma_wait3A_376 = arith.constant 0 : i32
      %dma_wait3A_377 = tpu.memref_slice %arg2[%dma_wait3A_375, %dma_wait3A_376] : memref<1000000x64xf32, #tpu.memory_space<hbm>> -> memref<1000000x64xf32, #tpu.memory_space<hbm>>
      tpu.wait_indirect_dma semaphore(%arg7 : memref<!tpu.dma_semaphore, #tpu.memory_space<semaphore_mem>>) src(%dma_wait3A_377 : memref<1000000x64xf32, #tpu.memory_space<hbm>>) dst(%dma_wait3A_371 : memref<128x64xf32, #tpu.memory_space<vmem>>)
      %dma_wait3A_378 = arith.constant 1 : i32
      %dma_wait3A_379 = arith.constant 2 : i32
      %dma_wait3A_380 = arith.constant 1 : i32
      %dma_wait3A_381 = arith.constant 2 : i32
      %dma_wait3A_382 = arith.constant 128 : i32
      %dma_wait3A_383 = arith.constant 0 : i32
      %dma_wait3A_384 = tpu.memref_slice %arg6[%dma_wait3A_380, %dma_wait3A_381, %dma_wait3A_382, %dma_wait3A_383] : memref<2x4x200x64xf32, #tpu.memory_space<vmem>> -> memref<1x1x72x64xf32, #tpu.memory_space<vmem>>
      %dma_wait3A_385 = tpu.memref_squeeze %dma_wait3A_384 : memref<1x1x72x64xf32, #tpu.memory_space<vmem>> -> memref<72x64xf32, #tpu.memory_space<vmem>>
      %dma_wait3A_386 = arith.constant 128 : i32
      %dma_wait3A_387 = tpu.memref_slice %arg5[%dma_wait3A_378, %dma_wait3A_379, %dma_wait3A_386] : memref<2x4x200xi32, #tpu.memory_space<vmem>> -> memref<1x1x72xi32, #tpu.memory_space<vmem>>
      %dma_wait3A_388 = tpu.memref_squeeze %dma_wait3A_387 : memref<1x1x72xi32, #tpu.memory_space<vmem>> -> memref<72xi32, #tpu.memory_space<vmem>>
      %dma_wait3A_389 = arith.constant 0 : i32
      %dma_wait3A_390 = arith.constant 0 : i32
      %dma_wait3A_391 = tpu.memref_slice %arg2[%dma_wait3A_389, %dma_wait3A_390] : memref<1000000x64xf32, #tpu.memory_space<hbm>> -> memref<1000000x64xf32, #tpu.memory_space<hbm>>
      tpu.wait_indirect_dma semaphore(%arg7 : memref<!tpu.dma_semaphore, #tpu.memory_space<semaphore_mem>>) src(%dma_wait3A_391 : memref<1000000x64xf32, #tpu.memory_space<hbm>>) dst(%dma_wait3A_385 : memref<72x64xf32, #tpu.memory_space<vmem>>)
      %dma_wait3A_392 = arith.constant 1 : i32
      %dma_wait3A_393 = arith.constant 3 : i32
      %dma_wait3A_394 = arith.constant 1 : i32
      %dma_wait3A_395 = arith.constant 3 : i32
      %dma_wait3A_396 = arith.constant 0 : i32
      %dma_wait3A_397 = arith.constant 0 : i32
      %dma_wait3A_398 = tpu.memref_slice %arg6[%dma_wait3A_394, %dma_wait3A_395, %dma_wait3A_396, %dma_wait3A_397] : memref<2x4x200x64xf32, #tpu.memory_space<vmem>> -> memref<1x1x128x64xf32, #tpu.memory_space<vmem>>
      %dma_wait3A_399 = tpu.memref_squeeze %dma_wait3A_398 : memref<1x1x128x64xf32, #tpu.memory_space<vmem>> -> memref<128x64xf32, #tpu.memory_space<vmem>>
      %dma_wait3A_400 = arith.constant 0 : i32
      %dma_wait3A_401 = tpu.memref_slice %arg5[%dma_wait3A_392, %dma_wait3A_393, %dma_wait3A_400] : memref<2x4x200xi32, #tpu.memory_space<vmem>> -> memref<1x1x128xi32, #tpu.memory_space<vmem>>
      %dma_wait3A_402 = tpu.memref_squeeze %dma_wait3A_401 : memref<1x1x128xi32, #tpu.memory_space<vmem>> -> memref<128xi32, #tpu.memory_space<vmem>>
      %dma_wait3A_403 = arith.constant 0 : i32
      %dma_wait3A_404 = arith.constant 0 : i32
      %dma_wait3A_405 = tpu.memref_slice %arg2[%dma_wait3A_403, %dma_wait3A_404] : memref<1000000x64xf32, #tpu.memory_space<hbm>> -> memref<1000000x64xf32, #tpu.memory_space<hbm>>
      tpu.wait_indirect_dma semaphore(%arg7 : memref<!tpu.dma_semaphore, #tpu.memory_space<semaphore_mem>>) src(%dma_wait3A_405 : memref<1000000x64xf32, #tpu.memory_space<hbm>>) dst(%dma_wait3A_399 : memref<128x64xf32, #tpu.memory_space<vmem>>)
      %dma_wait3A_406 = arith.constant 1 : i32
      %dma_wait3A_407 = arith.constant 3 : i32
      %dma_wait3A_408 = arith.constant 1 : i32
      %dma_wait3A_409 = arith.constant 3 : i32
      %dma_wait3A_410 = arith.constant 128 : i32
      %dma_wait3A_411 = arith.constant 0 : i32
      %dma_wait3A_412 = tpu.memref_slice %arg6[%dma_wait3A_408, %dma_wait3A_409, %dma_wait3A_410, %dma_wait3A_411] : memref<2x4x200x64xf32, #tpu.memory_space<vmem>> -> memref<1x1x72x64xf32, #tpu.memory_space<vmem>>
      %dma_wait3A_413 = tpu.memref_squeeze %dma_wait3A_412 : memref<1x1x72x64xf32, #tpu.memory_space<vmem>> -> memref<72x64xf32, #tpu.memory_space<vmem>>
      %dma_wait3A_414 = arith.constant 128 : i32
      %dma_wait3A_415 = tpu.memref_slice %arg5[%dma_wait3A_406, %dma_wait3A_407, %dma_wait3A_414] : memref<2x4x200xi32, #tpu.memory_space<vmem>> -> memref<1x1x72xi32, #tpu.memory_space<vmem>>
      %dma_wait3A_416 = tpu.memref_squeeze %dma_wait3A_415 : memref<1x1x72xi32, #tpu.memory_space<vmem>> -> memref<72xi32, #tpu.memory_space<vmem>>
      %dma_wait3A_417 = arith.constant 0 : i32
      %dma_wait3A_418 = arith.constant 0 : i32
      %dma_wait3A_419 = tpu.memref_slice %arg2[%dma_wait3A_417, %dma_wait3A_418] : memref<1000000x64xf32, #tpu.memory_space<hbm>> -> memref<1000000x64xf32, #tpu.memory_space<hbm>>
      tpu.wait_indirect_dma semaphore(%arg7 : memref<!tpu.dma_semaphore, #tpu.memory_space<semaphore_mem>>) src(%dma_wait3A_419 : memref<1000000x64xf32, #tpu.memory_space<hbm>>) dst(%dma_wait3A_413 : memref<72x64xf32, #tpu.memory_space<vmem>>)
      %dma_start3A_420 = arith.constant 1 : i32
      %dma_start3A_421 = arith.constant 0 : i32
      %dma_start3A_422 = arith.constant 0 : i32
      %dma_start3A_423 = arith.constant 0 : i32
      %dma_start3A_424 = tpu.memref_slice %arg6[%dma_start3A_420, %dma_start3A_421, %dma_start3A_422, %dma_start3A_423] : memref<2x4x200x64xf32, #tpu.memory_space<vmem>> -> memref<1x4x200x64xf32, #tpu.memory_space<vmem>>
      %dma_start3A_425 = tpu.memref_squeeze %dma_start3A_424 : memref<1x4x200x64xf32, #tpu.memory_space<vmem>> -> memref<4x200x64xf32, #tpu.memory_space<vmem>>
      %dma_start3A_426 = arith.constant 0 : i32
      %dma_start3A_427 = arith.constant 0 : i32
      %dma_start3A_428 = tpu.memref_slice %arg4[%add3A_295, %dma_start3A_426, %dma_start3A_427] : memref<16384x200x128xf32, #tpu.memory_space<hbm>> -> memref<4x200x64xf32, #tpu.memory_space<hbm>>
      %dma_start3A_429 = arith.constant 0 : i32
      %dma_start3A_430 = arith.constant 0 : i32
      %dma_start3A_431 = tpu.memref_slice %arg4[%add3A_295, %dma_start3A_429, %dma_start3A_430] : memref<16384x200x128xf32, #tpu.memory_space<hbm>> -> memref<4x200x64xf32, #tpu.memory_space<hbm>>
      %dma_start3A_432 = arith.constant 0 : i32
      %dma_start3A_433 = arith.constant 0 : i32
      %dma_start3A_434 = arith.constant 0 : i32
      %dma_start3A_435 = tpu.memref_slice %arg6[%dma_start3A_420, %dma_start3A_432, %dma_start3A_433, %dma_start3A_434] : memref<2x4x200x64xf32, #tpu.memory_space<vmem>> -> memref<1x4x200x64xf32, #tpu.memory_space<vmem>>
      %dma_start3A_436 = tpu.memref_squeeze %dma_start3A_435 : memref<1x4x200x64xf32, #tpu.memory_space<vmem>> -> memref<4x200x64xf32, #tpu.memory_space<vmem>>
      tpu.enqueue_dma source(%dma_start3A_436 : memref<4x200x64xf32, #tpu.memory_space<vmem>>) target(%dma_start3A_431 : memref<4x200x64xf32, #tpu.memory_space<hbm>>) target_semaphore(%arg9 : memref<!tpu.dma_semaphore, #tpu.memory_space<semaphore_mem>>)
      %add3A_437 = arith.constant 2 : i32
      %add3A_438 = arith.addi %add3A_292, %add3A_437 : i32
      %lt3A_439 = arith.constant 128 : i32
      %lt3A_440 = arith.cmpi slt, %add3A_438, %lt3A_439 : i32
      %convert_element_type3A_441 = arith.extui %lt3A_440 : i1 to i32
      %cond3A_442 = arith.constant 0 : i32
      %cond3A_443 = arith.cmpi ne, %convert_element_type3A_441, %cond3A_442 : i32
      scf.if %cond3A_443 {
        %add3A_444 = arith.constant 8 : i32
        %add3A_445 = arith.addi %add3A_295, %add3A_444 : i32
        %run_scoped3A_446 = arith.constant 1 : i32
        "tpu.region"() ({
          %run_scoped3A_447 = tpu.sem_alloc : memref<!tpu.dma_semaphore, #tpu.memory_space<semaphore_mem>>
          %dma_start3A_448 = arith.constant 0 : i32
          %dma_start3A_449 = arith.constant 0 : i32
          %dma_start3A_450 = tpu.memref_slice %arg5[%run_scoped3A_446, %dma_start3A_448, %dma_start3A_449] : memref<2x4x200xi32, #tpu.memory_space<vmem>> -> memref<1x4x200xi32, #tpu.memory_space<vmem>>
          %dma_start3A_451 = tpu.memref_squeeze %dma_start3A_450 : memref<1x4x200xi32, #tpu.memory_space<vmem>> -> memref<4x200xi32, #tpu.memory_space<vmem>>
          %dma_start3A_452 = arith.constant 0 : i32
          %dma_start3A_453 = tpu.memref_slice %arg3[%add3A_445, %dma_start3A_452] : memref<16384x200xi32, #tpu.memory_space<hbm>> -> memref<4x200xi32, #tpu.memory_space<hbm>>
          %dma_start3A_454 = arith.constant 0 : i32
          %dma_start3A_455 = arith.constant 0 : i32
          %dma_start3A_456 = tpu.memref_slice %arg5[%run_scoped3A_446, %dma_start3A_454, %dma_start3A_455] : memref<2x4x200xi32, #tpu.memory_space<vmem>> -> memref<1x4x200xi32, #tpu.memory_space<vmem>>
          %dma_start3A_457 = tpu.memref_squeeze %dma_start3A_456 : memref<1x4x200xi32, #tpu.memory_space<vmem>> -> memref<4x200xi32, #tpu.memory_space<vmem>>
          %dma_start3A_458 = arith.constant 0 : i32
          %dma_start3A_459 = tpu.memref_slice %arg3[%add3A_445, %dma_start3A_458] : memref<16384x200xi32, #tpu.memory_space<hbm>> -> memref<4x200xi32, #tpu.memory_space<hbm>>
          tpu.enqueue_dma source(%dma_start3A_459 : memref<4x200xi32, #tpu.memory_space<hbm>>) target(%dma_start3A_457 : memref<4x200xi32, #tpu.memory_space<vmem>>) target_semaphore(%run_scoped3A_447 : memref<!tpu.dma_semaphore, #tpu.memory_space<semaphore_mem>>)
          %dma_wait3A_460 = arith.constant 0 : i32
          %dma_wait3A_461 = arith.constant 0 : i32
          %dma_wait3A_462 = tpu.memref_slice %arg5[%run_scoped3A_446, %dma_wait3A_460, %dma_wait3A_461] : memref<2x4x200xi32, #tpu.memory_space<vmem>> -> memref<1x4x200xi32, #tpu.memory_space<vmem>>
          %dma_wait3A_463 = tpu.memref_squeeze %dma_wait3A_462 : memref<1x4x200xi32, #tpu.memory_space<vmem>> -> memref<4x200xi32, #tpu.memory_space<vmem>>
          %dma_wait3A_464 = arith.constant 0 : i32
          %dma_wait3A_465 = tpu.memref_slice %arg3[%add3A_445, %dma_wait3A_464] : memref<16384x200xi32, #tpu.memory_space<hbm>> -> memref<4x200xi32, #tpu.memory_space<hbm>>
          %dma_wait3A_466 = arith.constant 0 : i32
          %dma_wait3A_467 = arith.constant 0 : i32
          %dma_wait3A_468 = tpu.memref_slice %arg5[%run_scoped3A_446, %dma_wait3A_466, %dma_wait3A_467] : memref<2x4x200xi32, #tpu.memory_space<vmem>> -> memref<1x4x200xi32, #tpu.memory_space<vmem>>
          %dma_wait3A_469 = tpu.memref_squeeze %dma_wait3A_468 : memref<1x4x200xi32, #tpu.memory_space<vmem>> -> memref<4x200xi32, #tpu.memory_space<vmem>>
          %dma_wait3A_470 = arith.constant 0 : i32
          %dma_wait3A_471 = tpu.memref_slice %arg3[%add3A_445, %dma_wait3A_470] : memref<16384x200xi32, #tpu.memory_space<hbm>> -> memref<4x200xi32, #tpu.memory_space<hbm>>
          tpu.wait_dma2 semaphore(%run_scoped3A_447 : memref<!tpu.dma_semaphore, #tpu.memory_space<semaphore_mem>>) src(%dma_wait3A_471 : memref<4x200xi32, #tpu.memory_space<hbm>>) dst(%dma_wait3A_469 : memref<4x200xi32, #tpu.memory_space<vmem>>)
          tpu.yield
        }) : () -> ()
      } else {
      }
    }
    %scan3A_120 = arith.constant 64 : i32
    %dma_wait3A = arith.constant 1 : i32
    %dma_wait3A_121 = arith.constant 0 : i32
    %dma_wait3A_122 = arith.constant 0 : i32
    %dma_wait3A_123 = arith.constant 0 : i32
    %dma_wait3A_124 = tpu.memref_slice %arg6[%dma_wait3A, %dma_wait3A_121, %dma_wait3A_122, %dma_wait3A_123] : memref<2x4x200x64xf32, #tpu.memory_space<vmem>> -> memref<1x4x200x64xf32, #tpu.memory_space<vmem>>
    %dma_wait3A_125 = tpu.memref_squeeze %dma_wait3A_124 : memref<1x4x200x64xf32, #tpu.memory_space<vmem>> -> memref<4x200x64xf32, #tpu.memory_space<vmem>>
    %dma_wait3A_126 = arith.constant 0 : i32
    %dma_wait3A_127 = arith.constant 0 : i32
    %dma_wait3A_128 = tpu.memref_slice %arg4[%mul3A_2, %dma_wait3A_126, %dma_wait3A_127] : memref<16384x200x128xf32, #tpu.memory_space<hbm>> -> memref<4x200x64xf32, #tpu.memory_space<hbm>>
    %dma_wait3A_129 = arith.constant 0 : i32
    %dma_wait3A_130 = arith.constant 0 : i32
    %dma_wait3A_131 = tpu.memref_slice %arg4[%mul3A_2, %dma_wait3A_129, %dma_wait3A_130] : memref<16384x200x128xf32, #tpu.memory_space<hbm>> -> memref<4x200x64xf32, #tpu.memory_space<hbm>>
    %dma_wait3A_132 = arith.constant 0 : i32
    %dma_wait3A_133 = arith.constant 0 : i32
    %dma_wait3A_134 = arith.constant 0 : i32
    %dma_wait3A_135 = tpu.memref_slice %arg6[%dma_wait3A, %dma_wait3A_132, %dma_wait3A_133, %dma_wait3A_134] : memref<2x4x200x64xf32, #tpu.memory_space<vmem>> -> memref<1x4x200x64xf32, #tpu.memory_space<vmem>>
    %dma_wait3A_136 = tpu.memref_squeeze %dma_wait3A_135 : memref<1x4x200x64xf32, #tpu.memory_space<vmem>> -> memref<4x200x64xf32, #tpu.memory_space<vmem>>
    tpu.wait_dma2 semaphore(%arg9 : memref<!tpu.dma_semaphore, #tpu.memory_space<semaphore_mem>>) src(%dma_wait3A_136 : memref<4x200x64xf32, #tpu.memory_space<vmem>>) dst(%dma_wait3A_131 : memref<4x200x64xf32, #tpu.memory_space<hbm>>)
    return
  }
}

</mosaic_0001>

<sc_bundles>
// kernel: _gather.3.cloned.1.call-start
scs
__scs_entry_jumppad:
0x0: {  	(pc) =	sbr.rel $0x88, $3  }
0x1: {  	(tag) =	ssettag $0x0;
	lr =	simm.s32 $0x1  }
0x2: {  	[smem:$0x3F9F] =	sst lr;
	_ =	strace $0xD0000000  }
0x3: {  	_ = 	snop  }
0x4: {  	_ = 	snop  }
0x5: {  	_ = 	snop  }
0x6: {  	_ = 	snop  }
0x7: {  	_ = 	snop  }
__scs_overlays_trampoline_lowered:
0x8: {  	[smem:$0x3FAE] =	sst s0  }
0x9: {  	[smem:$0x3FAF] =	sst s1  }
0xa: {  	[smem:$0x3FB0] =	sst s2  }
0xb: {  	[smem:$0x3FB1] =	sst s3  }
0xc: {  	[smem:$0x3FB2] =	sst s4  }
0xd: {  	[smem:$0x3FB3] =	sst s5  }
0xe: {  	[smem:$0x3FB4] =	sst s6  }
0xf: {  	[smem:$0x3FB5] =	sst s7  }
0x10: {  	[smem:$0x3FB6] =	sst s8  }
0x11: {  	[smem:$0x3FB7] =	sst s9;
	s0 =	simm.s32 @!p0 $0x0  }
0x12: {  	s1 =	sld [smem:$0x3F9D];
	s0 =	simm.s32 @p0 $0x1  }
0x13: {  	[smem:$0x3FB8] =	sst s0;
	s0 =	simm.s32 @!p1 $0x0  }
0x14: {  	s2 =	sld [smem:$0x3F9C];
	s0 =	simm.s32 @p1 $0x1  }
0x15: {  	[smem:$0x3FB9] =	sst s0;
	s0 =	simm.s32 @!p2 $0x0  }
0x16: {  	s3 =	sld [smem:$0x3FDB];
	s0 =	simm.s32 @p2 $0x1  }
0x17: {  	s4 =	simm.s32 $0x1BF5;
	[smem:$0x3FBB] =	sst s0  }
0x18: {  	s0 =	sld [smem:$0x3F9E];
	_ =	swait.ge [sflag:s4], $0x0  }
0x19: {  	s7 =	sld [smem:$0x3F9F]  }
0x1a: {  	s8 =	sadd.s32 $0xFFFFE003, lr  }
0x1b: {  	s9 =	sadd.s32 $0xFFFFFEF7, lr;
	s5 =	simm.s32 $0xFFFFFFFF;
	p2 =	slt.u32 s8, $0xFFFFF086  }
0x1c: {  	p1 =	slt.u32 s9, $0xF7A;
	s5 =	simm.s32 @!p2 $0x0  }
0x1d: {  	s5 =	simm.s32 @p1 $0x1;
	p0 =	seq.s32 s7, s2  }
0x1e: {  	s7 =	smul.u32 @!p0 $0xF7A, s2;
	p2 =	seq.s32 @!p0 s5, $0x0  }
0x1f: {  	s9 =	smul.u32 $0xF7A, s1;
	s8 =	simm.s32 @!p0 $0x1BF5;
	p2 =	por !p2, p0  }
0x20: {  	[sflag:s8] =	ssyncset.s32 @!p0 $0xFFFFF086;
	s6 =	sadd.s32 @!p0 s3, s7;
	s7 =	simm.s32 @!p0 $0x108  }
0x21: {  	s3 =	sadd.s32 s3, s9;
	s6 =	sadd.s32 @!p0 $0x88, s6;
	s7 =	simm.s32 @p2 $0x1082  }
0x22: {  	[simem:s7], [sflag:s8] =	dma.local @!p0 [hbm:s6], $0xF7A  }
0x23: {  	s9 =	sor.u32 $0xD0000000, s2;
	s6 =	simm.s32 $0x108;
	_ =	swait.ge @!p0 [sflag:s8], $0x0  }
0x24: {  	s3 =	sadd.s32 $0x88, s3;
	s6 =	simm.s32 @!p1 $0x1082;
	[sflag:s4] =	ssyncset.s32 $0xFFFFF086  }
0x25: {  	[simem:s6], [sflag:s4] =	dma.local [hbm:s3], $0xF7A  }
0x26: {  	[smem:$0x3F9F] =	sst s1;
	(tag) =	ssettag s2;
	_ =	strace s9  }
0x27: {  	s1 =	sld [smem:$0x3FAF]  }
0x28: {  	s2 =	sld [smem:$0x3FB0]  }
0x29: {  	s4 =	sld [smem:$0x3FB2]  }
0x2a: {  	p0 =	seq.s32 s5, $0x0;
	s5 =	sld [smem:$0x3FB3]  }
0x2b: {  	s6 =	sld [smem:$0x3FB4]  }
0x2c: {  	s7 =	sld [smem:$0x3FB5]  }
0x2d: {  	s3 =	simm.s32 $0x108;
	s8 =	sld [smem:$0x3FB6]  }
0x2e: {  	s3 =	simm.s32 @!p0 $0x1082;
	s9 =	sld [smem:$0x3FB7]  }
0x2f: {  	lr =	sadd.s32 s0, s3;
	s0 =	sld [smem:$0x3FAE]  }
0x30: {  	s3 =	sld [smem:$0x3FB1]  }
0x31: {  	[smem:$0x3FBA] =	sst s10  }
0x32: {  	s10 =	sld [smem:$0x3FB8];
	_ =	sdelay $0x3  }
0x33: {  	p0 =	seq.s32 s10, $0x1;
	s10 =	sld [smem:$0x3FBA];
	_ =	sdelay $0x3  }
0x34: {  	[smem:$0x3FBA] =	sst s10  }
0x35: {  	s10 =	sld [smem:$0x3FB9];
	_ =	sdelay $0x3  }
0x36: {  	p1 =	seq.s32 s10, $0x1;
	s10 =	sld [smem:$0x3FBA];
	_ =	sdelay $0x3  }
0x37: {  	[smem:$0x3FBA] =	sst s10  }
0x38: {  	s10 =	sld [smem:$0x3FBB]  }
0x39: {  	_ = 	snop;
	(pc) =	sbr.ind lr, $3  }
0x3a: {  	_ = 	snop  }
0x3b: {  	_ = 	snop  }
0x3c: {  	p2 =	seq.s32 s10, $0x1;
	s10 =	sld [smem:$0x3FBA]  }
0x3d: {  	_ =	shalt  }
0x3e: {  	_ =	shalt  }
0x3f: {  	_ =	shalt  }
0x40: {  	_ =	shalt  }
0x41: {  	_ =	shalt  }
0x42: {  	_ =	shalt  }
0x43: {  	_ =	shalt  }
0x44: {  	_ =	shalt  }
0x45: {  	_ =	shalt  }
0x46: {  	_ =	shalt  }
0x47: {  	_ =	shalt  }
0x48: {  	_ =	shalt  }
0x49: {  	_ =	shalt  }
0x4a: {  	_ =	shalt  }
0x4b: {  	_ =	shalt  }
0x4c: {  	_ =	shalt  }
0x4d: {  	_ =	shalt  }
0x4e: {  	_ =	shalt  }
0x4f: {  	_ =	shalt  }
0x50: {  	_ =	shalt  }
0x51: {  	_ =	shalt  }
0x52: {  	_ =	shalt  }
0x53: {  	_ =	shalt  }
0x54: {  	_ =	shalt  }
0x55: {  	_ =	shalt  }
0x56: {  	_ =	shalt  }
0x57: {  	_ =	shalt  }
0x58: {  	_ =	shalt  }
0x59: {  	_ =	shalt  }
0x5a: {  	_ =	shalt  }
0x5b: {  	_ =	shalt  }
0x5c: {  	_ =	shalt  }
0x5d: {  	_ =	shalt  }
0x5e: {  	_ =	shalt  }
0x5f: {  	_ =	shalt  }
0x60: {  	_ =	shalt  }
0x61: {  	_ =	shalt  }
0x62: {  	_ =	shalt  }
0x63: {  	_ =	shalt  }
0x64: {  	_ =	shalt  }
0x65: {  	_ =	shalt  }
0x66: {  	_ =	shalt  }
0x67: {  	_ =	shalt  }
0x68: {  	_ =	shalt  }
0x69: {  	_ =	shalt  }
0x6a: {  	_ =	shalt  }
0x6b: {  	_ =	shalt  }
0x6c: {  	_ =	shalt  }
0x6d: {  	_ =	shalt  }
0x6e: {  	_ =	shalt  }
0x6f: {  	_ =	shalt  }
0x70: {  	_ =	shalt  }
0x71: {  	_ =	shalt  }
0x72: {  	_ =	shalt  }
0x73: {  	_ =	shalt  }
0x74: {  	_ =	shalt  }
0x75: {  	_ =	shalt  }
0x76: {  	_ =	shalt  }
0x77: {  	_ =	shalt  }
0x78: {  	_ =	shalt  }
0x79: {  	_ =	shalt  }
0x7a: {  	_ =	shalt  }
0x7b: {  	_ =	shalt  }
0x7c: {  	_ =	shalt  }
0x7d: {  	_ =	shalt  }
0x7e: {  	_ =	shalt  }
0x7f: {  	_ =	shalt  }
0x80: {  	_ =	shalt  }
0x81: {  	_ =	shalt  }
0x82: {  	_ =	shalt  }
0x83: {  	_ =	shalt  }
0x84: {  	_ =	shalt  }
0x85: {  	_ =	shalt  }
0x86: {  	_ =	shalt  }
0x87: {  	_ =	shalt  }
.Lfunc_end0:
.L_simem_size_0:
called_computation_lowered:
.L_overlay_start_0:
0x88: {  	s2 =	sld [smem:$0x3FD9]  }
0x89: {  	s3 =	sld [smem:$0x3FFE];
	_ =	sdelay $0x1  }
0x8a: {  	s1 =	srdreg.scid  }
0x8b: {  	s0 =	sand.u32 $0x1, s1  }
0x8c: {  	s17 =	sshll.u32 s0, $0xA;
	s2 =	sadd.s32 s3, s2  }
0x8d: {  	s2 =	sadd.s32 s2, s17  }
0x8e: {  	[smem:$0x3FC6] =	sst s2  }
0x8f: {  	_ = 	snop  }
0x90: {  	s2 =	sld [smem:$0x3FD0];
	(tm) =	ssettm $0x1  }
0x91: {  	s18 =	sld [smem:$0x3FFB];
	_ =	sdelay $0x3  }
0x92: {  	_ =	strace s18  }
0x93: {  	s3 =	sld [smem:$0x3FFC];
	_ =	sdelay $0x3  }
0x94: {  	_ =	strace s3  }
0x95: {  	s3 =	sld [smem:$0x3FFD];
	_ =	sdelay $0x3  }
0x96: {  	_ =	strace s3  }
0x97: {  	_ =	strace $0x8FFFFFFF  }
0x98: {  	s19 =	sld [smem:$0x3FDB];
	_ =	sdelay $0x1  }
0x99: {  	s4 =	simm.s32 $_scs_section_size  }
0x9a: {  	s5 =	simm.s32 $_size__tile_overlayer_lowered;
	s6 =	simm.s32 $_tile_overlayer_lowered  }
0x9b: {  	s22 =	simm.s32 $0x1BFF;
	s21 =	sshll.u32 s6, $0x1;
	s3 =	sadd.s32 s4, s19  }
0x9c: {  	s7 =	simm.s32 $0x0;
	s20 =	sshll.u32 s5, $0x1;
	s5 =	sadd.s32 s21, s3  }
0x9d: {  	[timem:s7], [sflag:s22] =	dma.local [hbm:s5], s20  }
0x9e: {  	_ =	swait.ge [sflag:s22], s20  }
0x9f: {  	s4 =	ssub.s32 $0x0, s20;
	[sflag:s22] =	ssyncset.done $0x0  }
0xa0: {  	[sflag:s22] =	ssyncadd.s32 s4;
	_ =	sdelay $0x1  }
0xa1: {  	s23 =	simm.s32 $0x1B8B  }
0xa2: {  	_ =	swait.ge [sflag:s23], $0x1  }
0xa3: {  	[sflag:s23] =	ssyncset.done $0x0  }
0xa4: {  	s25 =	simm.s32 $0x1B8E;
	s24 =	sld [smem:$0x3FFE];
	[sflag:s23] =	ssyncadd.s32 $0xFFFFFFFF  }
0xa5: {  	s26 =	simm.s32 $execute0_lowered;
	[smem:$0x3FD2] =	sst s25  }
0xa6: {  	s5 =	sshll.u32 s26, $0x1;
	_ =	strace $0x80000046;
	[dreg:$0x1] =	wrdreg $0xFFFFFFFF  }
0xa7: {  	s28 =	simm.s32 $_size_execute0_lowered;
	s3 =	sadd.s32 s3, s5;
	[dreg:$0x0] =	wrdreg $0x0  }
0xa8: {  	s5 =	sshll.u32 s28, $0x1;
	[dreg:$0x2] =	wrdreg s3  }
0xa9: {  	[dreg:$0x3] =	wrdreg s5  }
0xaa: {  	[dreg:$0x4] =	wrdreg $0xC0  }
0xab: {  	_ =	task [dreg:s7], $0x5FFFF  }
0xac: {  	[dreg:$0x1] =	wrdreg $0xFFFFFFFF  }
0xad: {  	[dreg:$0x0] =	wrdreg $0x60  }
0xae: {  	[dreg:$0x2] =	wrdreg s24  }
0xaf: {  	[dreg:$0x3] =	wrdreg s2  }
0xb0: {  	[dreg:$0x4] =	wrdreg $0x9  }
0xb1: {  	_ =	task.clear_ibuf [dreg:s7], $0x5FFFF;
	_ =	strace $0x90000046  }
0xb2: {  	s29 =	simm.s32 $0x9;
	_ =	strace $0x80000048  }
0xb3: {  	_ =	swait.ge [sflag:s29], $0x1  }
0xb4: {  	[sflag:s29] =	ssyncadd.s32 $0xFFFFFFFF  }
0xb5: {  	_ =	strace $0x90000048  }
0xb6: {  	_ =	sfence  }
0xb7: {  	s30 =	sld [smem:$0x0];
	_ =	sdelay $0x2  }
0xb8: {  	s31 =	sshll.u32 s1, $0xD;
	s1 =	sshrl.u32 s1, $0x2  }
0xb9: {  	s3 =	sand.u32 $0x4000, s31;
	s1 =	sadd.s32 s1, s30  }
0xba: {  	s0 =	sor.u32 s3, s0;
	s1 =	sshll.u32 s1, $0x11  }
0xbb: {  	s0 =	sor.u32 s1, s0  }
0xbc: {  	s0 =	sadd.s32 $0x8F2B, s0  }
0xbd: {  	[sflag:s0] =	ssyncadd.remote.s32 $0x1  }
0xbe: {  	_ =	sfence.sel $0xFFFF  }
0xbf: {  	[dreg:$0x0] =	wrdreg $0xFFFFFFFF;
	(pc) =	sbr.abs _section_cstart, $3  }
0xc0: {  	[dreg:$0x1] =	wrdreg $0xFFFFFFFF  }
0xc1: {  	_ =	task.clear_ibuf [dreg:s7], $0x2FFFF;
	_ =	strace $0x9FFFFFFF  }
0xc2: {  	(tm) =	ssettm $0x7FFFFFFF  }
0xc3: {  	_ =	shalt  }
tec
execute0_lowered:
.L_overlay_start_1:
0x0: {  	(tag) =	ssettag $0x1  }
0x1: {  	s0 =	rddreg [dreg:$0x0]  }
0x2: {  	s1 =	rddreg [dreg:$0x1]  }
0x3: {  	s2 =	srdreg.scid;
	s10 =	stileid.u32;
	s19 =	simm.s32 $0x0  }
0x4: {  	s11 =	simm.s32 $0x80;
	s13 =	simm.s32 $0x48;
	s28 =	simm.s32 $0x320  }
0x5: {  	s29 =	simm.s32 $0xCE40;
	s31 =	simm.s32 $0xEE40;
	s14 =	simm.s32 $0x468  }
0x6: {  	s15 =	simm.s32 $0x12040;
	s16 =	simm.s32 $0x4B0;
	s17 =	simm.s32 $0x13240  }
0x7: {  	s18 =	simm.s32 $0x530;
	s30 =	simm.s32 $0x0;
	s4 =	sand.u32 $0x1, s2  }
0x8: {  	s3 =	sshll.u32 s10, $0xA;
	[smem:$0x7FF] =	sst s19;
	s7 =	smul.u32 $0x32000, s10  }
0x9: {  	s21 =	smul.u32 $0x320000, s10;
	s10 =	simm.s32 $0x4;
	s19 =	simm.s32 $0x15240  }
0xa: {  	s5 =	sshll.u32 s4, $0x9;
	_ =	strace $0x80000047;
	s9 =	smul.u32 $0x19000, s4  }
0xb: {  	s6 =	ssub.s32 $0x2, s4;
	s4 =	smul.u32 $0x190000, s4;
	s3 =	sor.u32 s5, s3  }
0xc: {  	s8 =	sshrl.u32 s6, $0x1;
	s1 =	sadd.s32 s21, s1;
	s21 =	simm.s32 $0x16440  }
0xd: {  	s5 =	smul.u32 $0x19, s3;
	s3 =	sadd.s32 $0x64400, s0;
	s0 =	sadd.s32 $0x400, s0  }
0xe: {  	s6 =	ssub.s32 s6, s8;
	s7 =	sadd.s32 s9, s7;
	s1 =	sadd.s32 s4, s1  }
0xf: {  	s22 =	smax.u32 s6, $0x1;
	s23 =	sor.u32 $0x960, s7;
	s25 =	sor.u32 $0x640, s7  }
0x10: {  	s1 =	sadd.s32 $0x3200, s1;
	s20 =	sadd.s32 s0, s5;
	[dreg:$0x5] =	wrdreg s22  }
0x11: {  	s24 =	sshrl.u32 s23, $0x3;
	[dreg:$0x6] =	wrdreg s1;
	s26 =	sshrl.u32 s25, $0x3  }
.Ltmp0:
0x12: {  	s1 =	simm.s32 $0x10040;
	s22 =	simm.s32 $0x5F8;
	(pc) =	sbr.rel .LBB2_1-.Ltmp0, $4  }
0x13: {  	s23 =	simm.s32 $0x18440;
	s25 =	simm.s32 $0x40;
	s5 =	simm.s32 $0x0  }
0x14: {  	[dreg:$0x3] =	wrdreg s20;
	s2 =	sadd.s32 $0x64, s20;
	s7 =	sadd.s32 s24, s0  }
0x15: {  	s9 =	sadd.s32 s26, s0;
	s0 =	simm.s32 $0x3E8;
	s20 =	simm.s32 $0x578  }
0x16: {  	s24 =	simm.s32 $0x1;
	s26 =	simm.s32 $0x2;
	[dreg:$0x4] =	wrdreg s2  }
.LBB2_4:
0x17: {  	s4 =	simm.s32 $0x3  }
0x18: {  	_ =	swait.ge [sflag:s4], $0xC800  }
0x19: {  	s5 =	rddreg [dreg:$0x7]  }
0x1a: {  	s2 =	rddreg [dreg:$0x5];
	s5 =	sadd.s32 $0x1, s5  }
0x1b: {  	p0 =	sne.s32 s5, s2  }
.Ltmp1:
0x1c: {  	_ = 	snop;
	(pc) =	sbr.rel @!p0 .LBB2_5-.Ltmp1, $3  }
0x1d: {  	_ =	sdelay $0x1  }
0x1e: {  	[sflag:s4] =	ssyncset.done $0x0  }
0x1f: {  	[sflag:s4] =	ssyncadd.s32 $0xFFFF3800  }
.LBB2_1:
0x20: {  	[dreg:$0x7] =	wrdreg s5  }
0x21: {  	s2 =	simm.s32 $0x0;
	s4 =	rddreg [dreg:$0x3]  }
0x22: {  	[tilespmem:s2], [sflag:$0x4] =	stream.linear.gather [hbm4b:s4+s2], $0x320, $0x38;
	[tilespmem:$0x19640] =	vst v63  }
0x23: {  	_ =	swait.ge [sflag:s10], $0x320  }
0x24: {  	[sflag:s10] =	ssyncset.done $0x0  }
0x25: {  	s5 =	simm.s32 $0x640;
	[sflag:s10] =	ssyncadd.s32 $0xFFFFFCE0  }
0x26: {  	[tilespmem:s5], [sflag:$0x1] =	stream.indirect.gather [hbm4b:s3+s11], $0x40, s2, s11, $0xb8;
	[tilespmem:$0x19640] =	vst v63  }
0x27: {  	s6 =	simm.s32 $0x2640  }
0x28: {  	[tilespmem:s6], [sflag:$0x1] =	stream.indirect.gather [hbm4b:s3+s13], $0x40, s11, s13, $0xb8;
	[tilespmem:$0x19640] =	vst v63  }
0x29: {  	s8 =	simm.s32 $0xC8;
	s12 =	simm.s32 $0x3840  }
0x2a: {  	[tilespmem:s12], [sflag:$0x1] =	stream.indirect.gather [hbm4b:s3+s11], $0x40, s8, s11, $0xb8;
	[tilespmem:$0x19640] =	vst v63  }
0x2b: {  	s5 =	simm.s32 $0x148;
	s6 =	simm.s32 $0x5840  }
0x2c: {  	[tilespmem:s6], [sflag:$0x1] =	stream.indirect.gather [hbm4b:s3+s13], $0x40, s5, s13, $0xb8;
	[tilespmem:$0x19640] =	vst v63  }
0x2d: {  	s8 =	simm.s32 $0x190;
	s12 =	simm.s32 $0x6A40  }
0x2e: {  	[tilespmem:s12], [sflag:$0x1] =	stream.indirect.gather [hbm4b:s3+s11], $0x40, s8, s11, $0xb8;
	[tilespmem:$0x19640] =	vst v63  }
0x2f: {  	s5 =	simm.s32 $0x210;
	s6 =	simm.s32 $0x8A40  }
0x30: {  	[tilespmem:s6], [sflag:$0x1] =	stream.indirect.gather [hbm4b:s3+s13], $0x40, s5, s13, $0xb8;
	[tilespmem:$0x19640] =	vst v63  }
0x31: {  	s8 =	simm.s32 $0x258;
	s12 =	simm.s32 $0x9C40  }
0x32: {  	[tilespmem:s12], [sflag:$0x1] =	stream.indirect.gather [hbm4b:s3+s11], $0x40, s8, s11, $0xb8;
	[tilespmem:$0x19640] =	vst v63  }
0x33: {  	s6 =	simm.s32 $0x2D8;
	s8 =	simm.s32 $0xBC40  }
0x34: {  	[tilespmem:s8], [sflag:$0x1] =	stream.indirect.gather [hbm4b:s3+s13], $0x40, s6, s13, $0xb8;
	[tilespmem:$0x19640] =	vst v63  }
0x35: {  	s12 =	rddreg [dreg:$0x4]  }
0x36: {  	[tilespmem:s28], [sflag:$0x4] =	stream.linear.gather [hbm4b:s12+s2], $0x320, $0x38;
	[tilespmem:$0x19640] =	vst v63  }
0x37: {  	_ =	swait.ge [sflag:s10], $0x320  }
0x38: {  	[sflag:s10] =	ssyncset.done $0x0  }
0x39: {  	s4 =	simm.s32 $0x0;
	s8 =	rddreg [dreg:$0x6];
	[sflag:s10] =	ssyncadd.s32 $0xFFFFFCE0  }
.LBB2_2:
0x3a: {  	p0 =	seq.s32 s4, $0x0  }
0x3b: {  	s5 =	simm.s32 @!p0 $0x3  }
0x3c: {  	_ =	swait.ge @!p0 [sflag:s5], $0xC800  }
0x3d: {  	[sflag:s5] =	ssyncset.done @!p0 $0x0  }
0x3e: {  	[sflag:s5] =	ssyncadd.s32 @!p0 $0xFFFF3800  }
0x3f: {  	[tilespmem:s29], [sflag:$0x1] =	stream.indirect.gather [hbm4b:s3+s11], $0x40, s28, s11, $0xb8;
	[tilespmem:$0x19640] =	vst v63  }
0x40: {  	s2 =	simm.s32 $0x3A0  }
0x41: {  	[tilespmem:s31], [sflag:$0x1] =	stream.indirect.gather [hbm4b:s3+s13], $0x40, s2, s13, $0xb8;
	[tilespmem:$0x19640] =	vst v63  }
0x42: {  	_ = 	snop  }
0x43: {  	[tilespmem:s1], [sflag:$0x1] =	stream.indirect.gather [hbm4b:s3+s11], $0x40, s0, s11, $0xb8;
	[tilespmem:$0x19640] =	vst v63  }
0x44: {  	_ = 	snop  }
0x45: {  	[tilespmem:s15], [sflag:$0x1] =	stream.indirect.gather [hbm4b:s3+s13], $0x40, s14, s13, $0xb8;
	[tilespmem:$0x19640] =	vst v63  }
0x46: {  	_ = 	snop  }
0x47: {  	[tilespmem:s17], [sflag:$0x1] =	stream.indirect.gather [hbm4b:s3+s11], $0x40, s16, s11, $0xb8;
	[tilespmem:$0x19640] =	vst v63  }
0x48: {  	_ = 	snop  }
0x49: {  	[tilespmem:s19], [sflag:$0x1] =	stream.indirect.gather [hbm4b:s3+s13], $0x40, s18, s13, $0xb8;
	[tilespmem:$0x19640] =	vst v63  }
0x4a: {  	_ = 	snop  }
0x4b: {  	[tilespmem:s21], [sflag:$0x1] =	stream.indirect.gather [hbm4b:s3+s11], $0x40, s20, s11, $0xb8;
	[tilespmem:$0x19640] =	vst v63  }
0x4c: {  	_ = 	snop  }
0x4d: {  	[tilespmem:s23], [sflag:$0x1] =	stream.indirect.gather [hbm4b:s3+s13], $0x40, s22, s13, $0xb8;
	[tilespmem:$0x19640] =	vst v63  }
0x4e: {  	_ =	swait.ge [sflag:s24], $0x2000  }
0x4f: {  	[sflag:s24] =	ssyncset.done $0x0  }
0x50: {  	[sflag:s24] =	ssyncadd.s32 $0xFFFFE000  }
0x51: {  	_ =	swait.ge [sflag:s24], $0x1200  }
0x52: {  	[sflag:s24] =	ssyncset.done $0x0  }
0x53: {  	[sflag:s24] =	ssyncadd.s32 $0xFFFFEE00  }
0x54: {  	_ =	swait.ge [sflag:s24], $0x2000  }
0x55: {  	[sflag:s24] =	ssyncset.done $0x0  }
0x56: {  	[sflag:s24] =	ssyncadd.s32 $0xFFFFE000  }
0x57: {  	_ =	swait.ge [sflag:s24], $0x1200  }
0x58: {  	[sflag:s24] =	ssyncset.done $0x0  }
0x59: {  	[sflag:s24] =	ssyncadd.s32 $0xFFFFEE00  }
0x5a: {  	_ =	swait.ge [sflag:s24], $0x2000  }
0x5b: {  	[sflag:s24] =	ssyncset.done $0x0  }
0x5c: {  	[sflag:s24] =	ssyncadd.s32 $0xFFFFE000  }
0x5d: {  	_ =	swait.ge [sflag:s24], $0x1200  }
0x5e: {  	[sflag:s24] =	ssyncset.done $0x0  }
0x5f: {  	[sflag:s24] =	ssyncadd.s32 $0xFFFFEE00  }
0x60: {  	_ =	swait.ge [sflag:s24], $0x2000  }
0x61: {  	[sflag:s24] =	ssyncset.done $0x0  }
0x62: {  	[sflag:s24] =	ssyncadd.s32 $0xFFFFE000  }
0x63: {  	_ =	swait.ge [sflag:s24], $0x1200  }
0x64: {  	s6 =	sadd.s32 $0xFFFFCE00, s8;
	[sflag:s24] =	ssyncset.done $0x0  }
0x65: {  	s12 =	simm.s32 $0x640;
	p0 =	seq.s32 s4, $0x3138;
	[sflag:s24] =	ssyncadd.s32 $0xFFFFEE00  }
0x66: {  	[hbm4b:s6+s25] =	stream.strided.scatter [tilespmem:s12], [sflag:$0x2], $0xC800, s11, s25, $0x38;
	[tilespmem:$0x19640] =	vst v63  }
0x67: {  	s5 =	sadd.s32 @!p0 s4, s9;
	s6 =	simm.s32 @!p0 $0x0  }
0x68: {  	[tilespmem:s6], [sflag:$0x5] =	stream.linear.gather @!p0 [hbm4b:s5+s6], $0x320, $0x38;
	[tilespmem:$0x19640] =	vst v63  }
0x69: {  	s5 =	simm.s32 @!p0 $0x5  }
0x6a: {  	_ =	swait.ge @!p0 [sflag:s5], $0x320  }
0x6b: {  	[sflag:s5] =	ssyncset.done @!p0 $0x0  }
0x6c: {  	[sflag:s5] =	ssyncadd.s32 @!p0 $0xFFFFFCE0  }
0x6d: {  	_ =	swait.ge [sflag:s26], $0xC800  }
0x6e: {  	[sflag:s26] =	ssyncset.done $0x0  }
0x6f: {  	s2 =	simm.s32 @!p0 $0x640;
	s5 =	simm.s32 @!p0 $0x80;
	[sflag:s26] =	ssyncadd.s32 $0xFFFF3800  }
0x70: {  	[tilespmem:s2], [sflag:$0x1] =	stream.indirect.gather @!p0 [hbm4b:s3+s5], $0x40, s6, s5, $0xb8;
	[tilespmem:$0x19640] =	vst v63  }
0x71: {  	s2 =	simm.s32 @!p0 $0x48;
	s6 =	simm.s32 @!p0 $0x2640  }
0x72: {  	[tilespmem:s6], [sflag:$0x1] =	stream.indirect.gather @!p0 [hbm4b:s3+s2], $0x40, s5, s2, $0xb8;
	[tilespmem:$0x19640] =	vst v63  }
0x73: {  	s12 =	simm.s32 @!p0 $0x3840;
	s6 =	simm.s32 @!p0 $0xC8  }
0x74: {  	[tilespmem:s12], [sflag:$0x1] =	stream.indirect.gather @!p0 [hbm4b:s3+s5], $0x40, s6, s5, $0xb8;
	[tilespmem:$0x19640] =	vst v63  }
0x75: {  	s6 =	simm.s32 @!p0 $0x148;
	s12 =	simm.s32 @!p0 $0x5840  }
0x76: {  	[tilespmem:s12], [sflag:$0x1] =	stream.indirect.gather @!p0 [hbm4b:s3+s2], $0x40, s6, s2, $0xb8;
	[tilespmem:$0x19640] =	vst v63  }
0x77: {  	s6 =	simm.s32 @!p0 $0x190;
	s12 =	simm.s32 @!p0 $0x6A40  }
0x78: {  	[tilespmem:s12], [sflag:$0x1] =	stream.indirect.gather @!p0 [hbm4b:s3+s5], $0x40, s6, s5, $0xb8;
	[tilespmem:$0x19640] =	vst v63  }
0x79: {  	s6 =	simm.s32 @!p0 $0x210;
	s12 =	simm.s32 @!p0 $0x8A40  }
0x7a: {  	[tilespmem:s12], [sflag:$0x1] =	stream.indirect.gather @!p0 [hbm4b:s3+s2], $0x40, s6, s2, $0xb8;
	[tilespmem:$0x19640] =	vst v63  }
0x7b: {  	s6 =	simm.s32 @!p0 $0x258;
	s12 =	simm.s32 @!p0 $0x9C40  }
0x7c: {  	[tilespmem:s12], [sflag:$0x1] =	stream.indirect.gather @!p0 [hbm4b:s3+s5], $0x40, s6, s5, $0xb8;
	[tilespmem:$0x19640] =	vst v63  }
0x7d: {  	s5 =	simm.s32 @!p0 $0x2D8;
	s6 =	simm.s32 @!p0 $0xBC40  }
0x7e: {  	[tilespmem:s6], [sflag:$0x1] =	stream.indirect.gather @!p0 [hbm4b:s3+s2], $0x40, s5, s2, $0xb8;
	[tilespmem:$0x19640] =	vst v63  }
0x7f: {  	_ =	swait.ge [sflag:s24], $0x2000  }
0x80: {  	[sflag:s24] =	ssyncset.done $0x0  }
0x81: {  	[sflag:s24] =	ssyncadd.s32 $0xFFFFE000  }
0x82: {  	_ =	swait.ge [sflag:s24], $0x1200  }
0x83: {  	[sflag:s24] =	ssyncset.done $0x0  }
0x84: {  	[sflag:s24] =	ssyncadd.s32 $0xFFFFEE00  }
0x85: {  	_ =	swait.ge [sflag:s24], $0x2000  }
0x86: {  	[sflag:s24] =	ssyncset.done $0x0  }
0x87: {  	[sflag:s24] =	ssyncadd.s32 $0xFFFFE000  }
0x88: {  	_ =	swait.ge [sflag:s24], $0x1200  }
0x89: {  	[sflag:s24] =	ssyncset.done $0x0  }
0x8a: {  	[sflag:s24] =	ssyncadd.s32 $0xFFFFEE00  }
0x8b: {  	_ =	swait.ge [sflag:s24], $0x2000  }
0x8c: {  	[sflag:s24] =	ssyncset.done $0x0  }
0x8d: {  	[sflag:s24] =	ssyncadd.s32 $0xFFFFE000  }
0x8e: {  	_ =	swait.ge [sflag:s24], $0x1200  }
0x8f: {  	[sflag:s24] =	ssyncset.done $0x0  }
0x90: {  	[sflag:s24] =	ssyncadd.s32 $0xFFFFEE00  }
0x91: {  	_ =	swait.ge [sflag:s24], $0x2000  }
0x92: {  	[sflag:s24] =	ssyncset.done $0x0  }
.Ltmp2:
0x93: {  	[sflag:s24] =	ssyncadd.s32 $0xFFFFE000;
	(pc) =	sbr.rel @p0 .LBB2_4-.Ltmp2, $4  }
0x94: {  	_ =	swait.ge [sflag:s24], $0x1200  }
0x95: {  	[sflag:s24] =	ssyncset.done $0x0  }
0x96: {  	[sflag:s24] =	ssyncadd.s32 $0xFFFFEE00  }
0x97: {  	[hbm4b:s8+s25] =	stream.strided.scatter [tilespmem:s29], [sflag:$0x3], $0xC800, s11, s25, $0x38;
	[tilespmem:$0x19640] =	vst v63  }
.Ltmp3:
0x98: {  	s2 =	sadd.s32 s4, s7;
	(pc) =	sbr.rel .LBB2_2-.Ltmp3, $4  }
0x99: {  	[tilespmem:s28], [sflag:$0x4] =	stream.linear.gather [hbm4b:s2+s30], $0x320, $0x38;
	[tilespmem:$0x19640] =	vst v63  }
0x9a: {  	_ =	swait.ge [sflag:s10], $0x320  }
0x9b: {  	[sflag:s10] =	ssyncset.done $0x0  }
0x9c: {  	s4 =	sadd.s32 $0xC8, s4;
	s8 =	sadd.s32 $0x6400, s8;
	[sflag:s10] =	ssyncadd.s32 $0xFFFFFCE0  }
.LBB2_5:
0x9d: {  	_ =	sfence.sel $0x180000  }
0x9e: {  	[bflag:$0x0] =	sbarrier.arrive $0xFFFF  }
0x9f: {  	_ =	strace $0x90000047  }
0xa0: {  	s0 =	stileid.u32;
	[bflag:$0x2] =	sbarrier.arrive $0xFFFF  }
0xa1: {  	p0 =	sne.s32 s0, $0x0;
	s0 =	rddreg [dreg:$0x2]  }
0xa2: {  	s0 =	sadd.s32 @!p0 $0x100000, s0  }
0xa3: {  	[sflag:s0] =	ssyncadd.tile.s32 @!p0 $0x1;
	_ =	shalt  }
.Lfunc_end2:
_tile_overlayer_lowered:
.L_overlay_start_2:
0xa4: {  	(tag) =	ssettag $0x2  }
0xa5: {  	s0 =	rddreg [dreg:$0x0];
	s2 =	stileid.u32  }
0xa6: {  	s1 =	rddreg [dreg:$0x1];
	p0 =	sne.s32 s2, $0x0  }
0xa7: {  	s3 =	rddreg [dreg:$0x2];
	[bflag:$0x3] =	sbarrier.arrive $0xFFFF;
	s2 =	simm.s32 @!p0 $0x1C04  }
0xa8: {  	[timem:s3], [sflag:s2] =	dma.local @!p0 [hbm:s0], s1  }
0xa9: {  	s0 =	simm.s32 @!p0 $0x4  }
0xaa: {  	_ =	swait.ge @!p0 [sflag:s0], s1  }
0xab: {  	s1 =	ssub.s32 @!p0 $0x0, s1;
	[sflag:s0] =	ssyncset.done @!p0 $0x0  }
0xac: {  	[sflag:s0] =	ssyncadd.s32 @!p0 s1  }
0xad: {  	[bflag:$0x3] =	sbarrier.arrive $0xFFFF  }
0xae: {  	_ =	shalt  }

</sc_bundles>
